<compile_context>
chip_gen: v7x
topology: tpu7x:2x2x1
jax: 0.10.2.dev20260603
libtpu: 0.0.44.dev20260713+nightly
codegen_flags: <defaults>
</compile_context>

<pallas_src>
import functools

import jax
import jax.numpy as jnp
from jax import lax
from jax.experimental import pallas as pl
from jax.experimental.pallas import tpu as pltpu
from jax.experimental.pallas import tpu_sc as plsc

_NC, _NS = 2, 16
_CW = 125
_P = 8



def _lin0_body(x_ref, w_ref, b_ref, o_ref):
    y = jnp.dot(x_ref[...], w_ref[...], preferred_element_type=jnp.float32)
    o_ref[...] = jnp.maximum(y + b_ref[...], 0.0)


def _lin0(x8, w8, b8):
    n8, d8 = x8.shape
    hp = w8.shape[1]
    return pl.pallas_call(
        _lin0_body,
        grid=(1,),
        in_specs=[
            pl.BlockSpec((n8, d8), lambda i: (0, 0)),
            pl.BlockSpec((d8, hp), lambda i: (0, 0)),
            pl.BlockSpec((1, hp), lambda i: (0, 0)),
        ],
        out_specs=pl.BlockSpec((n8, hp), lambda i: (0, 0)),
        out_shape=jax.ShapeDtypeStruct((n8, hp), jnp.float32),
    )(x8, w8, b8)


def _edge_body(xj_ref, ea_ref, g8_ref, r8_ref, s_ref, b8_ref, o_ref):
    xj = xj_ref[...]
    y = jnp.dot(xj, g8_ref[...], preferred_element_type=jnp.float32)
    er = jnp.dot(ea_ref[...], r8_ref[...],
                 preferred_element_type=jnp.float32)
    prod = y * er
    s = s_ref[...]
    hh = s.shape[0]
    parts = [
        jnp.dot(prod[:, k * hh:(k + 1) * hh], s,
                preferred_element_type=jnp.float32)
        for k in range(_P)
    ]
    msg = jnp.concatenate(parts, axis=1)
    o_ref[...] = msg + jnp.dot(xj, b8_ref[...],
                               preferred_element_type=jnp.float32)


def _edge_msg(xj8, ea8, g8, r8, smat, b8):
    e8, hp = xj8.shape
    w8 = g8.shape[1]
    hh = smat.shape[0]
    be8 = 2000
    return pl.pallas_call(
        _edge_body,
        grid=(e8 // be8,),
        in_specs=[
            pl.BlockSpec((be8, hp), lambda i: (i, 0)),
            pl.BlockSpec((be8, hp), lambda i: (i, 0)),
            pl.BlockSpec((hp, w8), lambda i: (0, 0)),
            pl.BlockSpec((hp, w8), lambda i: (0, 0)),
            pl.BlockSpec((hh, hp // _P), lambda i: (0, 0)),
            pl.BlockSpec((hp, hp), lambda i: (0, 0)),
        ],
        out_specs=pl.BlockSpec((be8, hp), lambda i: (i, 0)),
        out_shape=jax.ShapeDtypeStruct((e8, hp), jnp.float32),
    )(xj8, ea8, g8, r8, smat, b8)


def _node_body(agg2_ref, h_ref, rwt_ref, cb_ref, wir_ref,
               wiz_ref, win_ref, whr_ref, whz_ref, whn_ref, bir_ref,
               biz_ref, bin_ref, bhr_ref, bhz_ref, bhn_ref, o_ref):
    h = h_ref[...]
    agg = agg2_ref[0] + agg2_ref[1]
    m = agg + jnp.dot(h, rwt_ref[...], preferred_element_type=jnp.float32)
    m = jnp.maximum(m + cb_ref[...], 0.0)

    def mm(a, w_ref):
        return jnp.dot(a, w_ref[...], preferred_element_type=jnp.float32)

    r = 1.0 / (1.0 + jnp.exp(-(mm(m, wir_ref) + bir_ref[...]
                               + mm(h, whr_ref) + bhr_ref[...])))
    z = 1.0 / (1.0 + jnp.exp(-(mm(m, wiz_ref) + biz_ref[...]
                               + mm(h, whz_ref) + bhz_ref[...])))
    nn = jnp.tanh(mm(m, win_ref) + bin_ref[...]
                  + r * (mm(h, whn_ref) + bhn_ref[...]))
    o_ref[...] = (1.0 - z) * nn + z * h


def _node_update(agg28, h8, rwt8, cb8, gate_ws, gate_bs):
    n8, hp = h8.shape
    wspec = pl.BlockSpec((hp, hp), lambda i: (0, 0))
    bspec = pl.BlockSpec((1, hp), lambda i: (0, 0))
    return pl.pallas_call(
        _node_body,
        grid=(1,),
        in_specs=[
            pl.BlockSpec((_NC, n8, hp), lambda i: (0, 0, 0)),
            pl.BlockSpec((n8, hp), lambda i: (0, 0)),
            wspec, bspec,
            wspec, wspec, wspec, wspec, wspec, wspec,
            bspec, bspec, bspec, bspec, bspec, bspec,
        ],
        out_specs=pl.BlockSpec((n8, hp), lambda i: (0, 0)),
        out_shape=jax.ShapeDtypeStruct((n8, hp), jnp.float32),
    )(agg28, h8, rwt8, cb8, *gate_ws, *gate_bs)



def _sc_mesh():
    return plsc.VectorSubcoreMesh(core_axis_name="c", subcore_axis_name="s",
                                  num_cores=_NC, num_subcores=_NS)


def _sc_gather(table, src3):
    nw, ch, cw = src3.shape
    epw = ch * cw
    e = nw * epw
    h = table.shape[1]

    @functools.partial(
        pl.kernel,
        mesh=_sc_mesh(),
        out_type=jax.ShapeDtypeStruct((e, h), jnp.float32),
        compiler_params=pltpu.CompilerParams(use_tc_tiling_on_sc=False),
        scratch_types=[
            pltpu.VMEM((ch, cw), jnp.int32),
            pltpu.VMEM((epw, h), jnp.float32),
            pltpu.SemaphoreType.DMA,
        ],
    )
    def k(table_hbm, idx_hbm, out_hbm, idx_v, rows_v, sem):
        w = lax.axis_index("c") * _NS + lax.axis_index("s")
        pltpu.sync_copy(idx_hbm.at[w], idx_v)

        def fire(j, carry):
            pltpu.async_copy(table_hbm.at[idx_v.at[j]],
                             rows_v.at[pl.ds(j * cw, cw)], sem)
            return carry

        def drain(j, carry):
            pltpu.make_async_copy(table_hbm.at[idx_v.at[j]],
                                  rows_v.at[pl.ds(j * cw, cw)], sem).wait()
            return carry

        lax.fori_loop(0, ch, fire, 0)
        lax.fori_loop(0, ch, drain, 0)
        pltpu.sync_copy(rows_v, out_hbm.at[pl.ds(w * epw, epw)])

    return k(table, src3)


def _sc_scatter(msg, dst3, zeros, n):
    nw, ch, cw = dst3.shape
    epw = ch * cw
    h = msg.shape[1]
    stripe = n // _NS

    @functools.partial(
        pl.kernel,
        mesh=_sc_mesh(),
        out_type=jax.ShapeDtypeStruct((_NC, n, h), jnp.float32),
        compiler_params=pltpu.CompilerParams(use_tc_tiling_on_sc=False),
        scratch_types=[
            pltpu.VMEM((ch, cw), jnp.int32),
            pltpu.VMEM((epw, h), jnp.float32),
            pltpu.VMEM_SHARED((n, h), jnp.float32),
            pltpu.SemaphoreType.DMA,
        ],
    )
    def k(msg_hbm, idx_hbm, z_hbm, out_hbm, idx_v, msg_v, agg_sh, sem):
        cid = lax.axis_index("c")
        sid = lax.axis_index("s")
        w = cid * _NS + sid
        row0 = sid * stripe
        pltpu.sync_copy(z_hbm.at[pl.ds(row0, stripe)],
                        agg_sh.at[pl.ds(row0, stripe)])
        pltpu.sync_copy(idx_hbm.at[w], idx_v)
        pltpu.sync_copy(msg_hbm.at[pl.ds(w * epw, epw)], msg_v)
        plsc.subcore_barrier()

        def fire(j, carry):
            pltpu.async_copy(msg_v.at[pl.ds(j * cw, cw)],
                             agg_sh.at[idx_v.at[j]], sem, add=True)
            return carry

        def drain(j, carry):
            pltpu.make_async_copy(msg_v.at[pl.ds(j * cw, cw)],
                                  agg_sh.at[idx_v.at[j]], sem).wait()
            return carry

        lax.fori_loop(0, ch, fire, 0)
        lax.fori_loop(0, ch, drain, 0)
        plsc.subcore_barrier()
        pltpu.sync_copy(agg_sh.at[pl.ds(row0, stripe)],
                        out_hbm.at[cid, pl.ds(row0, stripe)])

    return k(msg, dst3, zeros)



def kernel(x, edge_index, edge_attr, lin0_W, lin0_b, nn_W, nn_b, root_W,
           conv_b, W_ih, W_hh, b_ih, b_hh):
    n, ind = x.shape
    e = edge_index.shape[1]
    h = lin0_W.shape[0]
    ed = edge_attr.shape[1]
    hp = _P * h
    nw = _NC * _NS
    epw = e // nw
    ch = epw // _CW
    eye8 = jnp.eye(_P, dtype=jnp.float32)

    src3 = edge_index[0].reshape(nw, ch, _CW)
    dst3 = edge_index[1].reshape(nw, ch, _CW)

    gcat = nn_W.reshape(h, h, ed).transpose(0, 2, 1).reshape(h, ed * h)
    rmat = jnp.repeat(jnp.eye(ed, dtype=jnp.float32), h, axis=1)
    smat = jnp.tile(jnp.eye(h, dtype=jnp.float32), (ed, 1))
    g8 = jnp.kron(eye8, gcat)
    r8 = jnp.kron(eye8, rmat)
    b8 = jnp.kron(eye8, nn_b.reshape(h, h))
    zeros = jnp.zeros((n, h), jnp.float32)
    ea8 = edge_attr.reshape(e // _P, hp)

    l8 = jnp.kron(eye8, lin0_W.T)
    bl8 = jnp.tile(lin0_b, _P).reshape(1, hp)
    rwt8 = jnp.kron(eye8, root_W.T)
    cb8 = jnp.tile(conv_b, _P).reshape(1, hp)
    gate_ws = [jnp.kron(eye8, wmat[i * h:(i + 1) * h].T)
               for wmat in (W_ih, W_hh) for i in range(3)]
    gate_bs = [jnp.tile(bvec[i * h:(i + 1) * h], _P).reshape(1, hp)
               for bvec in (b_ih, b_hh) for i in range(3)]

    out8 = _lin0(x.reshape(n // _P, _P * ind), l8, bl8)
    h8 = out8
    for _ in range(3):
        xj = _sc_gather(out8.reshape(n, h), src3)
        msg8 = _edge_msg(xj.reshape(e // _P, hp), ea8, g8, r8, smat, b8)
        agg2 = _sc_scatter(msg8.reshape(e, h), dst3, zeros, n)
        h8 = _node_update(agg2.reshape(_NC, n // _P, hp), h8, rwt8, cb8,
                          gate_ws, gate_bs)
        out8 = h8
    return out8.reshape(n, h)

# --- scband reference (transcript-rebuilt; emitter-appended) ---
"""Pipeline reference for scband-net-37434934952778 (READ-ONLY COPY).

The authoritative reference and input builder live on the scoring server;
editing this copy changes nothing except your own understanding.
"""

import jax, jax.numpy as jnp
import numpy as np

N = 10000
E = 160000
IN_DIM = 128
H = 16
ED = 16


def setup_inputs(seed: int = 0) -> dict:
    key = jax.random.key(seed)
    ks = jax.random.split(key, 13)
    s = 0.1
    inp = {}
    inp["x"] = jax.random.normal(ks[0], (N, IN_DIM), dtype=jnp.float32)
    inp["edge_index"] = jax.random.randint(ks[1], (2, E), 0, N, dtype=jnp.int32)
    inp["edge_attr"] = jax.random.uniform(ks[2], (E, ED), dtype=jnp.float32)
    inp["lin0_W"] = s * jax.random.normal(ks[3], (H, IN_DIM), dtype=jnp.float32)
    inp["lin0_b"] = jnp.zeros((H,), jnp.float32)
    inp["nn_W"] = s * jax.random.normal(ks[4], (H * H, ED), dtype=jnp.float32)
    inp["nn_b"] = jnp.zeros((H * H,), jnp.float32)
    inp["root_W"] = s * jax.random.normal(ks[5], (H, H), dtype=jnp.float32)
    inp["conv_b"] = jnp.zeros((H,), jnp.float32)
    inp["W_ih"] = s * jax.random.normal(ks[6], (3 * H, H), dtype=jnp.float32)
    inp["W_hh"] = s * jax.random.normal(ks[7], (3 * H, H), dtype=jnp.float32)
    inp["b_ih"] = jnp.zeros((3 * H,), jnp.float32)
    inp["b_hh"] = jnp.zeros((3 * H,), jnp.float32)
    return inp


def _gru_cell(x, h, W_ih, W_hh, b_ih, b_hh):
    gi = x @ W_ih.T + b_ih
    gh = h @ W_hh.T + b_hh
    i_r, i_z, i_n = jnp.split(gi, 3, axis=-1)
    h_r, h_z, h_n = jnp.split(gh, 3, axis=-1)
    r = jax.nn.sigmoid(i_r + h_r)
    z = jax.nn.sigmoid(i_z + h_z)
    n = jnp.tanh(i_n + r * h_n)
    return (1.0 - z) * n + z * h


def reference(x, edge_index, edge_attr, lin0_W, lin0_b, nn_W, nn_b, root_W, conv_b, W_ih, W_hh, b_ih, b_hh):
    src = edge_index[0]
    dst = edge_index[1]
    # part == 'R': out = relu(lin0(x))
    out = jax.nn.relu(x @ lin0_W.T + lin0_b)
    h = out  # h = out.unsqueeze(0) in torch; single layer GRU, seq_len=1
    for _ in range(3):
        # NNConv: edge network produces per-edge [H, H] weight (aggr='add', root weight, bias)
        w = (edge_attr @ nn_W.T + nn_b).reshape(E, H, H)
        x_j = out[src]
        msg = jnp.einsum('eh,eho->eo', x_j, w)
        agg = jax.ops.segment_sum(msg, dst, num_segments=N)
        m = jax.nn.relu(agg + out @ root_W.T + conv_b)
        h = _gru_cell(m, h, W_ih, W_hh, b_ih, b_hh)
        out = h
    return out

if __name__ == "__main__":
    import jax
    _d = setup_inputs()
    print(jax.jit(kernel)(*tuple(_d.values())))

</pallas_src>

<mosaic_0001>
#map = affine_map<(d0, d1) -> (0, 0)>
#map1 = affine_map<(d0, d1) -> (0, 0, 0)>
module attributes {stable_mosaic.version = 14 : i64} {
  func.func @k(%arg0: i32, %arg1: i32, %arg2: memref<10000x16xf32, #tpu.memory_space<hbm>>, %arg3: memref<32x40x125xi32, #tpu.memory_space<hbm>>, %arg4: memref<160000x16xf32, #tpu.memory_space<hbm>>, %arg5: memref<40x125xi32, #tpu.memory_space<vmem>>, %arg6: memref<5000x16xf32, #tpu.memory_space<vmem>>, %arg7: memref<!tpu.dma_semaphore, #tpu.memory_space<semaphore_mem>>) attributes {dimension_semantics = [#tpu.dimension_semantics<core_parallel>, #tpu.dimension_semantics<subcore_parallel>], iteration_bounds = array<i64: 2, 16>, scalar_prefetch = 0 : i64, scratch_operands = 3 : i64, tpu.core_type = #tpu.core_type<sc_vector_subcore>, window_params = [{transform_indices = #map}, {transform_indices = #map1}, {transform_indices = #map}]} {
    %mul3A = arith.constant 16 : i32
    %mul3A_0 = arith.muli %arg0, %mul3A : i32
    %add3A = arith.addi %mul3A_0, %arg1 : i32
    "tpu.region"() ({
      %run_scoped3A = tpu.sem_alloc : memref<!tpu.dma_semaphore, #tpu.memory_space<semaphore_mem>>
      %dma_start3A = arith.constant 0 : i32
      %dma_start3A_14 = arith.constant 0 : i32
      %dma_start3A_15 = tpu.memref_slice %arg3[%add3A, %dma_start3A, %dma_start3A_14] : memref<32x40x125xi32, #tpu.memory_space<hbm>> -> memref<1x40x125xi32, #tpu.memory_space<hbm>>
      %dma_start3A_16 = tpu.memref_squeeze %dma_start3A_15 : memref<1x40x125xi32, #tpu.memory_space<hbm>> -> memref<40x125xi32, #tpu.memory_space<hbm>>
      %dma_start3A_17 = arith.constant 0 : i32
      %dma_start3A_18 = arith.constant 0 : i32
      %dma_start3A_19 = tpu.memref_slice %arg3[%add3A, %dma_start3A_17, %dma_start3A_18] : memref<32x40x125xi32, #tpu.memory_space<hbm>> -> memref<1x40x125xi32, #tpu.memory_space<hbm>>
      %dma_start3A_20 = tpu.memref_squeeze %dma_start3A_19 : memref<1x40x125xi32, #tpu.memory_space<hbm>> -> memref<40x125xi32, #tpu.memory_space<hbm>>
      tpu.enqueue_dma source(%dma_start3A_20 : memref<40x125xi32, #tpu.memory_space<hbm>>) target(%arg5 : memref<40x125xi32, #tpu.memory_space<vmem>>) target_semaphore(%run_scoped3A : memref<!tpu.dma_semaphore, #tpu.memory_space<semaphore_mem>>)
      %dma_wait3A = arith.constant 0 : i32
      %dma_wait3A_21 = arith.constant 0 : i32
      %dma_wait3A_22 = tpu.memref_slice %arg3[%add3A, %dma_wait3A, %dma_wait3A_21] : memref<32x40x125xi32, #tpu.memory_space<hbm>> -> memref<1x40x125xi32, #tpu.memory_space<hbm>>
      %dma_wait3A_23 = tpu.memref_squeeze %dma_wait3A_22 : memref<1x40x125xi32, #tpu.memory_space<hbm>> -> memref<40x125xi32, #tpu.memory_space<hbm>>
      %dma_wait3A_24 = arith.constant 0 : i32
      %dma_wait3A_25 = arith.constant 0 : i32
      %dma_wait3A_26 = tpu.memref_slice %arg3[%add3A, %dma_wait3A_24, %dma_wait3A_25] : memref<32x40x125xi32, #tpu.memory_space<hbm>> -> memref<1x40x125xi32, #tpu.memory_space<hbm>>
      %dma_wait3A_27 = tpu.memref_squeeze %dma_wait3A_26 : memref<1x40x125xi32, #tpu.memory_space<hbm>> -> memref<40x125xi32, #tpu.memory_space<hbm>>
      tpu.wait_dma2 semaphore(%run_scoped3A : memref<!tpu.dma_semaphore, #tpu.memory_space<semaphore_mem>>) src(%dma_wait3A_27 : memref<40x125xi32, #tpu.memory_space<hbm>>) dst(%arg5 : memref<40x125xi32, #tpu.memory_space<vmem>>)
      tpu.yield
    }) : () -> ()
    %scan3A = arith.constant 0 : i32
    %scan3A_1 = arith.constant 0 : i32
    %scan3A_2 = arith.constant 40 : i32
    %scan3A_3 = arith.addi %scan3A_1, %scan3A_2 : i32
    %scan3A_4 = arith.constant 1 : i32
    scf.for %scan3A_14 = %scan3A_1 to %scan3A_3 step %scan3A_4  : i32 {
      %mul3A_15 = arith.constant 125 : i32
      %mul3A_16 = arith.muli %scan3A_14, %mul3A_15 : i32
      %dma_start3A = arith.constant 0 : i32
      %dma_start3A_17 = tpu.memref_slice %arg6[%mul3A_16, %dma_start3A] : memref<5000x16xf32, #tpu.memory_space<vmem>> -> memref<125x16xf32, #tpu.memory_space<vmem>>
      %dma_start3A_18 = arith.constant 0 : i32
      %dma_start3A_19 = tpu.memref_slice %arg5[%scan3A_14, %dma_start3A_18] : memref<40x125xi32, #tpu.memory_space<vmem>> -> memref<1x125xi32, #tpu.memory_space<vmem>>
      %dma_start3A_20 = tpu.memref_squeeze %dma_start3A_19 : memref<1x125xi32, #tpu.memory_space<vmem>> -> memref<125xi32, #tpu.memory_space<vmem>>
      %dma_start3A_21 = arith.constant 0 : i32
      %dma_start3A_22 = arith.constant 0 : i32
      %dma_start3A_23 = tpu.memref_slice %arg2[%dma_start3A_21, %dma_start3A_22] : memref<10000x16xf32, #tpu.memory_space<hbm>> -> memref<10000x16xf32, #tpu.memory_space<hbm>>
      tpu.enqueue_indirect_dma source(%dma_start3A_23 : memref<10000x16xf32, #tpu.memory_space<hbm>>) target(%dma_start3A_17 : memref<125x16xf32, #tpu.memory_space<vmem>>) offsets(%dma_start3A_20 : memref<125xi32, #tpu.memory_space<vmem>>) semaphore(%arg7 : memref<!tpu.dma_semaphore, #tpu.memory_space<semaphore_mem>>)
    }
    %scan3A_5 = arith.constant 40 : i32
    %scan3A_6 = arith.constant 0 : i32
    %scan3A_7 = arith.constant 0 : i32
    %scan3A_8 = arith.constant 40 : i32
    %scan3A_9 = arith.addi %scan3A_7, %scan3A_8 : i32
    %scan3A_10 = arith.constant 1 : i32
    scf.for %scan3A_14 = %scan3A_7 to %scan3A_9 step %scan3A_10  : i32 {
      %mul3A_15 = arith.constant 125 : i32
      %mul3A_16 = arith.muli %scan3A_14, %mul3A_15 : i32
      %dma_wait3A = arith.constant 0 : i32
      %dma_wait3A_17 = tpu.memref_slice %arg6[%mul3A_16, %dma_wait3A] : memref<5000x16xf32, #tpu.memory_space<vmem>> -> memref<125x16xf32, #tpu.memory_space<vmem>>
      %dma_wait3A_18 = arith.constant 0 : i32
      %dma_wait3A_19 = tpu.memref_slice %arg5[%scan3A_14, %dma_wait3A_18] : memref<40x125xi32, #tpu.memory_space<vmem>> -> memref<1x125xi32, #tpu.memory_space<vmem>>
      %dma_wait3A_20 = tpu.memref_squeeze %dma_wait3A_19 : memref<1x125xi32, #tpu.memory_space<vmem>> -> memref<125xi32, #tpu.memory_space<vmem>>
      %dma_wait3A_21 = arith.constant 0 : i32
      %dma_wait3A_22 = arith.constant 0 : i32
      %dma_wait3A_23 = tpu.memref_slice %arg2[%dma_wait3A_21, %dma_wait3A_22] : memref<10000x16xf32, #tpu.memory_space<hbm>> -> memref<10000x16xf32, #tpu.memory_space<hbm>>
      tpu.wait_indirect_dma semaphore(%arg7 : memref<!tpu.dma_semaphore, #tpu.memory_space<semaphore_mem>>) src(%dma_wait3A_23 : memref<10000x16xf32, #tpu.memory_space<hbm>>) dst(%dma_wait3A_17 : memref<125x16xf32, #tpu.memory_space<vmem>>)
    }
    %scan3A_11 = arith.constant 40 : i32
    %mul3A_12 = arith.constant 5000 : i32
    %mul3A_13 = arith.muli %add3A, %mul3A_12 : i32
    "tpu.region"() ({
      %run_scoped3A = tpu.sem_alloc : memref<!tpu.dma_semaphore, #tpu.memory_space<semaphore_mem>>
      %dma_start3A = arith.constant 0 : i32
      %dma_start3A_14 = tpu.memref_slice %arg4[%mul3A_13, %dma_start3A] : memref<160000x16xf32, #tpu.memory_space<hbm>> -> memref<5000x16xf32, #tpu.memory_space<hbm>>
      %dma_start3A_15 = arith.constant 0 : i32
      %dma_start3A_16 = tpu.memref_slice %arg4[%mul3A_13, %dma_start3A_15] : memref<160000x16xf32, #tpu.memory_space<hbm>> -> memref<5000x16xf32, #tpu.memory_space<hbm>>
      tpu.enqueue_dma source(%arg6 : memref<5000x16xf32, #tpu.memory_space<vmem>>) target(%dma_start3A_16 : memref<5000x16xf32, #tpu.memory_space<hbm>>) target_semaphore(%run_scoped3A : memref<!tpu.dma_semaphore, #tpu.memory_space<semaphore_mem>>)
      %dma_wait3A = arith.constant 0 : i32
      %dma_wait3A_17 = tpu.memref_slice %arg4[%mul3A_13, %dma_wait3A] : memref<160000x16xf32, #tpu.memory_space<hbm>> -> memref<5000x16xf32, #tpu.memory_space<hbm>>
      %dma_wait3A_18 = arith.constant 0 : i32
      %dma_wait3A_19 = tpu.memref_slice %arg4[%mul3A_13, %dma_wait3A_18] : memref<160000x16xf32, #tpu.memory_space<hbm>> -> memref<5000x16xf32, #tpu.memory_space<hbm>>
      tpu.wait_dma2 semaphore(%run_scoped3A : memref<!tpu.dma_semaphore, #tpu.memory_space<semaphore_mem>>) src(%arg6 : memref<5000x16xf32, #tpu.memory_space<vmem>>) dst(%dma_wait3A_19 : memref<5000x16xf32, #tpu.memory_space<hbm>>)
      tpu.yield
    }) : () -> ()
    return
  }
}

#map = affine_map<(d0, d1) -> (0, 0)>
#map1 = affine_map<(d0, d1) -> (0, 0, 0)>
module attributes {stable_mosaic.version = 14 : i64} {
  func.func @k(%arg0: i32, %arg1: i32, %arg2: memref<10000x16xf32, #tpu.memory_space<hbm>>, %arg3: memref<32x40x125xi32, #tpu.memory_space<hbm>>, %arg4: memref<160000x16xf32, #tpu.memory_space<hbm>>, %arg5: memref<40x125xi32, #tpu.memory_space<vmem>>, %arg6: memref<5000x16xf32, #tpu.memory_space<vmem>>, %arg7: memref<!tpu.dma_semaphore, #tpu.memory_space<semaphore_mem>>) attributes {dimension_semantics = [#tpu.dimension_semantics<core_parallel>, #tpu.dimension_semantics<subcore_parallel>], iteration_bounds = array<i64: 2, 16>, scalar_prefetch = 0 : i64, scratch_operands = 3 : i64, tpu.core_type = #tpu.core_type<sc_vector_subcore>, window_params = [{transform_indices = #map}, {transform_indices = #map1}, {transform_indices = #map}]} {
    %mul3A = arith.constant 16 : i32
    %mul3A_0 = arith.muli %arg0, %mul3A : i32
    %add3A = arith.addi %mul3A_0, %arg1 : i32
    "tpu.region"() ({
      %run_scoped3A = tpu.sem_alloc : memref<!tpu.dma_semaphore, #tpu.memory_space<semaphore_mem>>
      %dma_start3A = arith.constant 0 : i32
      %dma_start3A_14 = arith.constant 0 : i32
      %dma_start3A_15 = tpu.memref_slice %arg3[%add3A, %dma_start3A, %dma_start3A_14] : memref<32x40x125xi32, #tpu.memory_space<hbm>> -> memref<1x40x125xi32, #tpu.memory_space<hbm>>
      %dma_start3A_16 = tpu.memref_squeeze %dma_start3A_15 : memref<1x40x125xi32, #tpu.memory_space<hbm>> -> memref<40x125xi32, #tpu.memory_space<hbm>>
      %dma_start3A_17 = arith.constant 0 : i32
      %dma_start3A_18 = arith.constant 0 : i32
      %dma_start3A_19 = tpu.memref_slice %arg3[%add3A, %dma_start3A_17, %dma_start3A_18] : memref<32x40x125xi32, #tpu.memory_space<hbm>> -> memref<1x40x125xi32, #tpu.memory_space<hbm>>
      %dma_start3A_20 = tpu.memref_squeeze %dma_start3A_19 : memref<1x40x125xi32, #tpu.memory_space<hbm>> -> memref<40x125xi32, #tpu.memory_space<hbm>>
      tpu.enqueue_dma source(%dma_start3A_20 : memref<40x125xi32, #tpu.memory_space<hbm>>) target(%arg5 : memref<40x125xi32, #tpu.memory_space<vmem>>) target_semaphore(%run_scoped3A : memref<!tpu.dma_semaphore, #tpu.memory_space<semaphore_mem>>)
      %dma_wait3A = arith.constant 0 : i32
      %dma_wait3A_21 = arith.constant 0 : i32
      %dma_wait3A_22 = tpu.memref_slice %arg3[%add3A, %dma_wait3A, %dma_wait3A_21] : memref<32x40x125xi32, #tpu.memory_space<hbm>> -> memref<1x40x125xi32, #tpu.memory_space<hbm>>
      %dma_wait3A_23 = tpu.memref_squeeze %dma_wait3A_22 : memref<1x40x125xi32, #tpu.memory_space<hbm>> -> memref<40x125xi32, #tpu.memory_space<hbm>>
      %dma_wait3A_24 = arith.constant 0 : i32
      %dma_wait3A_25 = arith.constant 0 : i32
      %dma_wait3A_26 = tpu.memref_slice %arg3[%add3A, %dma_wait3A_24, %dma_wait3A_25] : memref<32x40x125xi32, #tpu.memory_space<hbm>> -> memref<1x40x125xi32, #tpu.memory_space<hbm>>
      %dma_wait3A_27 = tpu.memref_squeeze %dma_wait3A_26 : memref<1x40x125xi32, #tpu.memory_space<hbm>> -> memref<40x125xi32, #tpu.memory_space<hbm>>
      tpu.wait_dma2 semaphore(%run_scoped3A : memref<!tpu.dma_semaphore, #tpu.memory_space<semaphore_mem>>) src(%dma_wait3A_27 : memref<40x125xi32, #tpu.memory_space<hbm>>) dst(%arg5 : memref<40x125xi32, #tpu.memory_space<vmem>>)
      tpu.yield
    }) : () -> ()
    %scan3A = arith.constant 0 : i32
    %scan3A_1 = arith.constant 0 : i32
    %scan3A_2 = arith.constant 40 : i32
    %scan3A_3 = arith.addi %scan3A_1, %scan3A_2 : i32
    %scan3A_4 = arith.constant 1 : i32
    scf.for %scan3A_14 = %scan3A_1 to %scan3A_3 step %scan3A_4  : i32 {
      %mul3A_15 = arith.constant 125 : i32
      %mul3A_16 = arith.muli %scan3A_14, %mul3A_15 : i32
      %dma_start3A = arith.constant 0 : i32
      %dma_start3A_17 = tpu.memref_slice %arg6[%mul3A_16, %dma_start3A] : memref<5000x16xf32, #tpu.memory_space<vmem>> -> memref<125x16xf32, #tpu.memory_space<vmem>>
      %dma_start3A_18 = arith.constant 0 : i32
      %dma_start3A_19 = tpu.memref_slice %arg5[%scan3A_14, %dma_start3A_18] : memref<40x125xi32, #tpu.memory_space<vmem>> -> memref<1x125xi32, #tpu.memory_space<vmem>>
      %dma_start3A_20 = tpu.memref_squeeze %dma_start3A_19 : memref<1x125xi32, #tpu.memory_space<vmem>> -> memref<125xi32, #tpu.memory_space<vmem>>
      %dma_start3A_21 = arith.constant 0 : i32
      %dma_start3A_22 = arith.constant 0 : i32
      %dma_start3A_23 = tpu.memref_slice %arg2[%dma_start3A_21, %dma_start3A_22] : memref<10000x16xf32, #tpu.memory_space<hbm>> -> memref<10000x16xf32, #tpu.memory_space<hbm>>
      tpu.enqueue_indirect_dma source(%dma_start3A_23 : memref<10000x16xf32, #tpu.memory_space<hbm>>) target(%dma_start3A_17 : memref<125x16xf32, #tpu.memory_space<vmem>>) offsets(%dma_start3A_20 : memref<125xi32, #tpu.memory_space<vmem>>) semaphore(%arg7 : memref<!tpu.dma_semaphore, #tpu.memory_space<semaphore_mem>>)
    }
    %scan3A_5 = arith.constant 40 : i32
    %scan3A_6 = arith.constant 0 : i32
    %scan3A_7 = arith.constant 0 : i32
    %scan3A_8 = arith.constant 40 : i32
    %scan3A_9 = arith.addi %scan3A_7, %scan3A_8 : i32
    %scan3A_10 = arith.constant 1 : i32
    scf.for %scan3A_14 = %scan3A_7 to %scan3A_9 step %scan3A_10  : i32 {
      %mul3A_15 = arith.constant 125 : i32
      %mul3A_16 = arith.muli %scan3A_14, %mul3A_15 : i32
      %dma_wait3A = arith.constant 0 : i32
      %dma_wait3A_17 = tpu.memref_slice %arg6[%mul3A_16, %dma_wait3A] : memref<5000x16xf32, #tpu.memory_space<vmem>> -> memref<125x16xf32, #tpu.memory_space<vmem>>
      %dma_wait3A_18 = arith.constant 0 : i32
      %dma_wait3A_19 = tpu.memref_slice %arg5[%scan3A_14, %dma_wait3A_18] : memref<40x125xi32, #tpu.memory_space<vmem>> -> memref<1x125xi32, #tpu.memory_space<vmem>>
      %dma_wait3A_20 = tpu.memref_squeeze %dma_wait3A_19 : memref<1x125xi32, #tpu.memory_space<vmem>> -> memref<125xi32, #tpu.memory_space<vmem>>
      %dma_wait3A_21 = arith.constant 0 : i32
      %dma_wait3A_22 = arith.constant 0 : i32
      %dma_wait3A_23 = tpu.memref_slice %arg2[%dma_wait3A_21, %dma_wait3A_22] : memref<10000x16xf32, #tpu.memory_space<hbm>> -> memref<10000x16xf32, #tpu.memory_space<hbm>>
      tpu.wait_indirect_dma semaphore(%arg7 : memref<!tpu.dma_semaphore, #tpu.memory_space<semaphore_mem>>) src(%dma_wait3A_23 : memref<10000x16xf32, #tpu.memory_space<hbm>>) dst(%dma_wait3A_17 : memref<125x16xf32, #tpu.memory_space<vmem>>)
    }
    %scan3A_11 = arith.constant 40 : i32
    %mul3A_12 = arith.constant 5000 : i32
    %mul3A_13 = arith.muli %add3A, %mul3A_12 : i32
    "tpu.region"() ({
      %run_scoped3A = tpu.sem_alloc : memref<!tpu.dma_semaphore, #tpu.memory_space<semaphore_mem>>
      %dma_start3A = arith.constant 0 : i32
      %dma_start3A_14 = tpu.memref_slice %arg4[%mul3A_13, %dma_start3A] : memref<160000x16xf32, #tpu.memory_space<hbm>> -> memref<5000x16xf32, #tpu.memory_space<hbm>>
      %dma_start3A_15 = arith.constant 0 : i32
      %dma_start3A_16 = tpu.memref_slice %arg4[%mul3A_13, %dma_start3A_15] : memref<160000x16xf32, #tpu.memory_space<hbm>> -> memref<5000x16xf32, #tpu.memory_space<hbm>>
      tpu.enqueue_dma source(%arg6 : memref<5000x16xf32, #tpu.memory_space<vmem>>) target(%dma_start3A_16 : memref<5000x16xf32, #tpu.memory_space<hbm>>) target_semaphore(%run_scoped3A : memref<!tpu.dma_semaphore, #tpu.memory_space<semaphore_mem>>)
      %dma_wait3A = arith.constant 0 : i32
      %dma_wait3A_17 = tpu.memref_slice %arg4[%mul3A_13, %dma_wait3A] : memref<160000x16xf32, #tpu.memory_space<hbm>> -> memref<5000x16xf32, #tpu.memory_space<hbm>>
      %dma_wait3A_18 = arith.constant 0 : i32
      %dma_wait3A_19 = tpu.memref_slice %arg4[%mul3A_13, %dma_wait3A_18] : memref<160000x16xf32, #tpu.memory_space<hbm>> -> memref<5000x16xf32, #tpu.memory_space<hbm>>
      tpu.wait_dma2 semaphore(%run_scoped3A : memref<!tpu.dma_semaphore, #tpu.memory_space<semaphore_mem>>) src(%arg6 : memref<5000x16xf32, #tpu.memory_space<vmem>>) dst(%dma_wait3A_19 : memref<5000x16xf32, #tpu.memory_space<hbm>>)
      tpu.yield
    }) : () -> ()
    return
  }
}

#map = affine_map<(d0, d1) -> (0, 0)>
#map1 = affine_map<(d0, d1) -> (0, 0, 0)>
module attributes {stable_mosaic.version = 14 : i64} {
  func.func @k(%arg0: i32, %arg1: i32, %arg2: memref<160000x16xf32, #tpu.memory_space<hbm>>, %arg3: memref<32x40x125xi32, #tpu.memory_space<hbm>>, %arg4: memref<10000x16xf32, #tpu.memory_space<hbm>>, %arg5: memref<2x10000x16xf32, #tpu.memory_space<hbm>>, %arg6: memref<40x125xi32, #tpu.memory_space<vmem>>, %arg7: memref<5000x16xf32, #tpu.memory_space<vmem>>, %arg8: memref<10000x16xf32, #tpu.memory_space<vmem_shared>>, %arg9: memref<!tpu.dma_semaphore, #tpu.memory_space<semaphore_mem>>) attributes {dimension_semantics = [#tpu.dimension_semantics<core_parallel>, #tpu.dimension_semantics<subcore_parallel>], iteration_bounds = array<i64: 2, 16>, scalar_prefetch = 0 : i64, scratch_operands = 4 : i64, tpu.core_type = #tpu.core_type<sc_vector_subcore>, window_params = [{transform_indices = #map}, {transform_indices = #map1}, {transform_indices = #map}, {transform_indices = #map1}]} {
    %mul3A = arith.constant 16 : i32
    %mul3A_0 = arith.muli %arg0, %mul3A : i32
    %add3A = arith.addi %mul3A_0, %arg1 : i32
    %mul3A_1 = arith.constant 625 : i32
    %mul3A_2 = arith.muli %arg1, %mul3A_1 : i32
    "tpu.region"() ({
      %run_scoped3A = tpu.sem_alloc : memref<!tpu.dma_semaphore, #tpu.memory_space<semaphore_mem>>
      %dma_start3A = arith.constant 0 : i32
      %dma_start3A_17 = tpu.memref_slice %arg8[%mul3A_2, %dma_start3A] : memref<10000x16xf32, #tpu.memory_space<vmem_shared>> -> memref<625x16xf32, #tpu.memory_space<vmem_shared>>
      %dma_start3A_18 = arith.constant 0 : i32
      %dma_start3A_19 = tpu.memref_slice %arg4[%mul3A_2, %dma_start3A_18] : memref<10000x16xf32, #tpu.memory_space<hbm>> -> memref<625x16xf32, #tpu.memory_space<hbm>>
      tpu.enqueue_dma source(%dma_start3A_19 : memref<625x16xf32, #tpu.memory_space<hbm>>) target(%dma_start3A_17 : memref<625x16xf32, #tpu.memory_space<vmem_shared>>) target_semaphore(%run_scoped3A : memref<!tpu.dma_semaphore, #tpu.memory_space<semaphore_mem>>)
      %dma_wait3A = arith.constant 0 : i32
      %dma_wait3A_20 = tpu.memref_slice %arg8[%mul3A_2, %dma_wait3A] : memref<10000x16xf32, #tpu.memory_space<vmem_shared>> -> memref<625x16xf32, #tpu.memory_space<vmem_shared>>
      %dma_wait3A_21 = arith.constant 0 : i32
      %dma_wait3A_22 = tpu.memref_slice %arg4[%mul3A_2, %dma_wait3A_21] : memref<10000x16xf32, #tpu.memory_space<hbm>> -> memref<625x16xf32, #tpu.memory_space<hbm>>
      tpu.wait_dma2 semaphore(%run_scoped3A : memref<!tpu.dma_semaphore, #tpu.memory_space<semaphore_mem>>) src(%dma_wait3A_22 : memref<625x16xf32, #tpu.memory_space<hbm>>) dst(%dma_wait3A_20 : memref<625x16xf32, #tpu.memory_space<vmem_shared>>)
      tpu.yield
    }) : () -> ()
    "tpu.region"() ({
      %run_scoped3A = tpu.sem_alloc : memref<!tpu.dma_semaphore, #tpu.memory_space<semaphore_mem>>
      %dma_start3A = arith.constant 0 : i32
      %dma_start3A_17 = arith.constant 0 : i32
      %dma_start3A_18 = tpu.memref_slice %arg3[%add3A, %dma_start3A, %dma_start3A_17] : memref<32x40x125xi32, #tpu.memory_space<hbm>> -> memref<1x40x125xi32, #tpu.memory_space<hbm>>
      %dma_start3A_19 = tpu.memref_squeeze %dma_start3A_18 : memref<1x40x125xi32, #tpu.memory_space<hbm>> -> memref<40x125xi32, #tpu.memory_space<hbm>>
      %dma_start3A_20 = arith.constant 0 : i32
      %dma_start3A_21 = arith.constant 0 : i32
      %dma_start3A_22 = tpu.memref_slice %arg3[%add3A, %dma_start3A_20, %dma_start3A_21] : memref<32x40x125xi32, #tpu.memory_space<hbm>> -> memref<1x40x125xi32, #tpu.memory_space<hbm>>
      %dma_start3A_23 = tpu.memref_squeeze %dma_start3A_22 : memref<1x40x125xi32, #tpu.memory_space<hbm>> -> memref<40x125xi32, #tpu.memory_space<hbm>>
      tpu.enqueue_dma source(%dma_start3A_23 : memref<40x125xi32, #tpu.memory_space<hbm>>) target(%arg6 : memref<40x125xi32, #tpu.memory_space<vmem>>) target_semaphore(%run_scoped3A : memref<!tpu.dma_semaphore, #tpu.memory_space<semaphore_mem>>)
      %dma_wait3A = arith.constant 0 : i32
      %dma_wait3A_24 = arith.constant 0 : i32
      %dma_wait3A_25 = tpu.memref_slice %arg3[%add3A, %dma_wait3A, %dma_wait3A_24] : memref<32x40x125xi32, #tpu.memory_space<hbm>> -> memref<1x40x125xi32, #tpu.memory_space<hbm>>
      %dma_wait3A_26 = tpu.memref_squeeze %dma_wait3A_25 : memref<1x40x125xi32, #tpu.memory_space<hbm>> -> memref<40x125xi32, #tpu.memory_space<hbm>>
      %dma_wait3A_27 = arith.constant 0 : i32
      %dma_wait3A_28 = arith.constant 0 : i32
      %dma_wait3A_29 = tpu.memref_slice %arg3[%add3A, %dma_wait3A_27, %dma_wait3A_28] : memref<32x40x125xi32, #tpu.memory_space<hbm>> -> memref<1x40x125xi32, #tpu.memory_space<hbm>>
      %dma_wait3A_30 = tpu.memref_squeeze %dma_wait3A_29 : memref<1x40x125xi32, #tpu.memory_space<hbm>> -> memref<40x125xi32, #tpu.memory_space<hbm>>
      tpu.wait_dma2 semaphore(%run_scoped3A : memref<!tpu.dma_semaphore, #tpu.memory_space<semaphore_mem>>) src(%dma_wait3A_30 : memref<40x125xi32, #tpu.memory_space<hbm>>) dst(%arg6 : memref<40x125xi32, #tpu.memory_space<vmem>>)
      tpu.yield
    }) : () -> ()
    %mul3A_3 = arith.constant 5000 : i32
    %mul3A_4 = arith.muli %add3A, %mul3A_3 : i32
    "tpu.region"() ({
      %run_scoped3A = tpu.sem_alloc : memref<!tpu.dma_semaphore, #tpu.memory_space<semaphore_mem>>
      %dma_start3A = arith.constant 0 : i32
      %dma_start3A_17 = tpu.memref_slice %arg2[%mul3A_4, %dma_start3A] : memref<160000x16xf32, #tpu.memory_space<hbm>> -> memref<5000x16xf32, #tpu.memory_space<hbm>>
      %dma_start3A_18 = arith.constant 0 : i32
      %dma_start3A_19 = tpu.memref_slice %arg2[%mul3A_4, %dma_start3A_18] : memref<160000x16xf32, #tpu.memory_space<hbm>> -> memref<5000x16xf32, #tpu.memory_space<hbm>>
      tpu.enqueue_dma source(%dma_start3A_19 : memref<5000x16xf32, #tpu.memory_space<hbm>>) target(%arg7 : memref<5000x16xf32, #tpu.memory_space<vmem>>) target_semaphore(%run_scoped3A : memref<!tpu.dma_semaphore, #tpu.memory_space<semaphore_mem>>)
      %dma_wait3A = arith.constant 0 : i32
      %dma_wait3A_20 = tpu.memref_slice %arg2[%mul3A_4, %dma_wait3A] : memref<160000x16xf32, #tpu.memory_space<hbm>> -> memref<5000x16xf32, #tpu.memory_space<hbm>>
      %dma_wait3A_21 = arith.constant 0 : i32
      %dma_wait3A_22 = tpu.memref_slice %arg2[%mul3A_4, %dma_wait3A_21] : memref<160000x16xf32, #tpu.memory_space<hbm>> -> memref<5000x16xf32, #tpu.memory_space<hbm>>
      tpu.wait_dma2 semaphore(%run_scoped3A : memref<!tpu.dma_semaphore, #tpu.memory_space<semaphore_mem>>) src(%dma_wait3A_22 : memref<5000x16xf32, #tpu.memory_space<hbm>>) dst(%arg7 : memref<5000x16xf32, #tpu.memory_space<vmem>>)
      tpu.yield
    }) : () -> ()
    %barrier3A = arith.constant 0 : index
    tpu.barrier barrier_id(%barrier3A)
    %scan3A = arith.constant 0 : i32
    %scan3A_5 = arith.constant 0 : i32
    %scan3A_6 = arith.constant 40 : i32
    %scan3A_7 = arith.addi %scan3A_5, %scan3A_6 : i32
    %scan3A_8 = arith.constant 1 : i32
    scf.for %scan3A_17 = %scan3A_5 to %scan3A_7 step %scan3A_8  : i32 {
      %mul3A_18 = arith.constant 125 : i32
      %mul3A_19 = arith.muli %scan3A_17, %mul3A_18 : i32
      %dma_start3A = arith.constant 0 : i32
      %dma_start3A_20 = tpu.memref_slice %arg7[%mul3A_19, %dma_start3A] : memref<5000x16xf32, #tpu.memory_space<vmem>> -> memref<125x16xf32, #tpu.memory_space<vmem>>
      %dma_start3A_21 = arith.constant 0 : i32
      %dma_start3A_22 = tpu.memref_slice %arg6[%scan3A_17, %dma_start3A_21] : memref<40x125xi32, #tpu.memory_space<vmem>> -> memref<1x125xi32, #tpu.memory_space<vmem>>
      %dma_start3A_23 = tpu.memref_squeeze %dma_start3A_22 : memref<1x125xi32, #tpu.memory_space<vmem>> -> memref<125xi32, #tpu.memory_space<vmem>>
      %dma_start3A_24 = arith.constant 0 : i32
      %dma_start3A_25 = arith.constant 0 : i32
      %dma_start3A_26 = tpu.memref_slice %arg8[%dma_start3A_24, %dma_start3A_25] : memref<10000x16xf32, #tpu.memory_space<vmem_shared>> -> memref<10000x16xf32, #tpu.memory_space<vmem_shared>>
      tpu.enqueue_indirect_dma source(%dma_start3A_20 : memref<125x16xf32, #tpu.memory_space<vmem>>) target(%dma_start3A_26 : memref<10000x16xf32, #tpu.memory_space<vmem_shared>>) offsets(%dma_start3A_23 : memref<125xi32, #tpu.memory_space<vmem>>) semaphore(%arg9 : memref<!tpu.dma_semaphore, #tpu.memory_space<semaphore_mem>>) {add = true}
    }
    %scan3A_9 = arith.constant 40 : i32
    %scan3A_10 = arith.constant 0 : i32
    %scan3A_11 = arith.constant 0 : i32
    %scan3A_12 = arith.constant 40 : i32
    %scan3A_13 = arith.addi %scan3A_11, %scan3A_12 : i32
    %scan3A_14 = arith.constant 1 : i32
    scf.for %scan3A_17 = %scan3A_11 to %scan3A_13 step %scan3A_14  : i32 {
      %mul3A_18 = arith.constant 125 : i32
      %mul3A_19 = arith.muli %scan3A_17, %mul3A_18 : i32
      %dma_wait3A = arith.constant 0 : i32
      %dma_wait3A_20 = tpu.memref_slice %arg7[%mul3A_19, %dma_wait3A] : memref<5000x16xf32, #tpu.memory_space<vmem>> -> memref<125x16xf32, #tpu.memory_space<vmem>>
      %dma_wait3A_21 = arith.constant 0 : i32
      %dma_wait3A_22 = tpu.memref_slice %arg6[%scan3A_17, %dma_wait3A_21] : memref<40x125xi32, #tpu.memory_space<vmem>> -> memref<1x125xi32, #tpu.memory_space<vmem>>
      %dma_wait3A_23 = tpu.memref_squeeze %dma_wait3A_22 : memref<1x125xi32, #tpu.memory_space<vmem>> -> memref<125xi32, #tpu.memory_space<vmem>>
      %dma_wait3A_24 = arith.constant 0 : i32
      %dma_wait3A_25 = arith.constant 0 : i32
      %dma_wait3A_26 = tpu.memref_slice %arg8[%dma_wait3A_24, %dma_wait3A_25] : memref<10000x16xf32, #tpu.memory_space<vmem_shared>> -> memref<10000x16xf32, #tpu.memory_space<vmem_shared>>
      tpu.wait_indirect_dma semaphore(%arg9 : memref<!tpu.dma_semaphore, #tpu.memory_space<semaphore_mem>>) src(%dma_wait3A_20 : memref<125x16xf32, #tpu.memory_space<vmem>>) dst(%dma_wait3A_26 : memref<10000x16xf32, #tpu.memory_space<vmem_shared>>)
    }
    %scan3A_15 = arith.constant 40 : i32
    %barrier3A_16 = arith.constant 0 : index
    tpu.barrier barrier_id(%barrier3A_16)
    "tpu.region"() ({
      %run_scoped3A = tpu.sem_alloc : memref<!tpu.dma_semaphore, #tpu.memory_space<semaphore_mem>>
      %dma_start3A = arith.constant 0 : i32
      %dma_start3A_17 = tpu.memref_slice %arg5[%arg0, %mul3A_2, %dma_start3A] : memref<2x10000x16xf32, #tpu.memory_space<hbm>> -> memref<1x625x16xf32, #tpu.memory_space<hbm>>
      %dma_start3A_18 = tpu.memref_squeeze %dma_start3A_17 : memref<1x625x16xf32, #tpu.memory_space<hbm>> -> memref<625x16xf32, #tpu.memory_space<hbm>>
      %dma_start3A_19 = arith.constant 0 : i32
      %dma_start3A_20 = tpu.memref_slice %arg8[%mul3A_2, %dma_start3A_19] : memref<10000x16xf32, #tpu.memory_space<vmem_shared>> -> memref<625x16xf32, #tpu.memory_space<vmem_shared>>
      tpu.enqueue_dma source(%dma_start3A_20 : memref<625x16xf32, #tpu.memory_space<vmem_shared>>) target(%dma_start3A_18 : memref<625x16xf32, #tpu.memory_space<hbm>>) target_semaphore(%run_scoped3A : memref<!tpu.dma_semaphore, #tpu.memory_space<semaphore_mem>>)
      %dma_wait3A = arith.constant 0 : i32
      %dma_wait3A_21 = tpu.memref_slice %arg5[%arg0, %mul3A_2, %dma_wait3A] : memref<2x10000x16xf32, #tpu.memory_space<hbm>> -> memref<1x625x16xf32, #tpu.memory_space<hbm>>
      %dma_wait3A_22 = tpu.memref_squeeze %dma_wait3A_21 : memref<1x625x16xf32, #tpu.memory_space<hbm>> -> memref<625x16xf32, #tpu.memory_space<hbm>>
      %dma_wait3A_23 = arith.constant 0 : i32
      %dma_wait3A_24 = tpu.memref_slice %arg8[%mul3A_2, %dma_wait3A_23] : memref<10000x16xf32, #tpu.memory_space<vmem_shared>> -> memref<625x16xf32, #tpu.memory_space<vmem_shared>>
      tpu.wait_dma2 semaphore(%run_scoped3A : memref<!tpu.dma_semaphore, #tpu.memory_space<semaphore_mem>>) src(%dma_wait3A_24 : memref<625x16xf32, #tpu.memory_space<vmem_shared>>) dst(%dma_wait3A_22 : memref<625x16xf32, #tpu.memory_space<hbm>>)
      tpu.yield
    }) : () -> ()
    return
  }
}

#map = affine_map<(d0, d1) -> (0, 0)>
#map1 = affine_map<(d0, d1) -> (0, 0, 0)>
module attributes {stable_mosaic.version = 14 : i64} {
  func.func @k(%arg0: i32, %arg1: i32, %arg2: memref<160000x16xf32, #tpu.memory_space<hbm>>, %arg3: memref<32x40x125xi32, #tpu.memory_space<hbm>>, %arg4: memref<10000x16xf32, #tpu.memory_space<hbm>>, %arg5: memref<2x10000x16xf32, #tpu.memory_space<hbm>>, %arg6: memref<40x125xi32, #tpu.memory_space<vmem>>, %arg7: memref<5000x16xf32, #tpu.memory_space<vmem>>, %arg8: memref<10000x16xf32, #tpu.memory_space<vmem_shared>>, %arg9: memref<!tpu.dma_semaphore, #tpu.memory_space<semaphore_mem>>) attributes {dimension_semantics = [#tpu.dimension_semantics<core_parallel>, #tpu.dimension_semantics<subcore_parallel>], iteration_bounds = array<i64: 2, 16>, scalar_prefetch = 0 : i64, scratch_operands = 4 : i64, tpu.core_type = #tpu.core_type<sc_vector_subcore>, window_params = [{transform_indices = #map}, {transform_indices = #map1}, {transform_indices = #map}, {transform_indices = #map1}]} {
    %mul3A = arith.constant 16 : i32
    %mul3A_0 = arith.muli %arg0, %mul3A : i32
    %add3A = arith.addi %mul3A_0, %arg1 : i32
    %mul3A_1 = arith.constant 625 : i32
    %mul3A_2 = arith.muli %arg1, %mul3A_1 : i32
    "tpu.region"() ({
      %run_scoped3A = tpu.sem_alloc : memref<!tpu.dma_semaphore, #tpu.memory_space<semaphore_mem>>
      %dma_start3A = arith.constant 0 : i32
      %dma_start3A_17 = tpu.memref_slice %arg8[%mul3A_2, %dma_start3A] : memref<10000x16xf32, #tpu.memory_space<vmem_shared>> -> memref<625x16xf32, #tpu.memory_space<vmem_shared>>
      %dma_start3A_18 = arith.constant 0 : i32
      %dma_start3A_19 = tpu.memref_slice %arg4[%mul3A_2, %dma_start3A_18] : memref<10000x16xf32, #tpu.memory_space<hbm>> -> memref<625x16xf32, #tpu.memory_space<hbm>>
      tpu.enqueue_dma source(%dma_start3A_19 : memref<625x16xf32, #tpu.memory_space<hbm>>) target(%dma_start3A_17 : memref<625x16xf32, #tpu.memory_space<vmem_shared>>) target_semaphore(%run_scoped3A : memref<!tpu.dma_semaphore, #tpu.memory_space<semaphore_mem>>)
      %dma_wait3A = arith.constant 0 : i32
      %dma_wait3A_20 = tpu.memref_slice %arg8[%mul3A_2, %dma_wait3A] : memref<10000x16xf32, #tpu.memory_space<vmem_shared>> -> memref<625x16xf32, #tpu.memory_space<vmem_shared>>
      %dma_wait3A_21 = arith.constant 0 : i32
      %dma_wait3A_22 = tpu.memref_slice %arg4[%mul3A_2, %dma_wait3A_21] : memref<10000x16xf32, #tpu.memory_space<hbm>> -> memref<625x16xf32, #tpu.memory_space<hbm>>
      tpu.wait_dma2 semaphore(%run_scoped3A : memref<!tpu.dma_semaphore, #tpu.memory_space<semaphore_mem>>) src(%dma_wait3A_22 : memref<625x16xf32, #tpu.memory_space<hbm>>) dst(%dma_wait3A_20 : memref<625x16xf32, #tpu.memory_space<vmem_shared>>)
      tpu.yield
    }) : () -> ()
    "tpu.region"() ({
      %run_scoped3A = tpu.sem_alloc : memref<!tpu.dma_semaphore, #tpu.memory_space<semaphore_mem>>
      %dma_start3A = arith.constant 0 : i32
      %dma_start3A_17 = arith.constant 0 : i32
      %dma_start3A_18 = tpu.memref_slice %arg3[%add3A, %dma_start3A, %dma_start3A_17] : memref<32x40x125xi32, #tpu.memory_space<hbm>> -> memref<1x40x125xi32, #tpu.memory_space<hbm>>
      %dma_start3A_19 = tpu.memref_squeeze %dma_start3A_18 : memref<1x40x125xi32, #tpu.memory_space<hbm>> -> memref<40x125xi32, #tpu.memory_space<hbm>>
      %dma_start3A_20 = arith.constant 0 : i32
      %dma_start3A_21 = arith.constant 0 : i32
      %dma_start3A_22 = tpu.memref_slice %arg3[%add3A, %dma_start3A_20, %dma_start3A_21] : memref<32x40x125xi32, #tpu.memory_space<hbm>> -> memref<1x40x125xi32, #tpu.memory_space<hbm>>
      %dma_start3A_23 = tpu.memref_squeeze %dma_start3A_22 : memref<1x40x125xi32, #tpu.memory_space<hbm>> -> memref<40x125xi32, #tpu.memory_space<hbm>>
      tpu.enqueue_dma source(%dma_start3A_23 : memref<40x125xi32, #tpu.memory_space<hbm>>) target(%arg6 : memref<40x125xi32, #tpu.memory_space<vmem>>) target_semaphore(%run_scoped3A : memref<!tpu.dma_semaphore, #tpu.memory_space<semaphore_mem>>)
      %dma_wait3A = arith.constant 0 : i32
      %dma_wait3A_24 = arith.constant 0 : i32
      %dma_wait3A_25 = tpu.memref_slice %arg3[%add3A, %dma_wait3A, %dma_wait3A_24] : memref<32x40x125xi32, #tpu.memory_space<hbm>> -> memref<1x40x125xi32, #tpu.memory_space<hbm>>
      %dma_wait3A_26 = tpu.memref_squeeze %dma_wait3A_25 : memref<1x40x125xi32, #tpu.memory_space<hbm>> -> memref<40x125xi32, #tpu.memory_space<hbm>>
      %dma_wait3A_27 = arith.constant 0 : i32
      %dma_wait3A_28 = arith.constant 0 : i32
      %dma_wait3A_29 = tpu.memref_slice %arg3[%add3A, %dma_wait3A_27, %dma_wait3A_28] : memref<32x40x125xi32, #tpu.memory_space<hbm>> -> memref<1x40x125xi32, #tpu.memory_space<hbm>>
      %dma_wait3A_30 = tpu.memref_squeeze %dma_wait3A_29 : memref<1x40x125xi32, #tpu.memory_space<hbm>> -> memref<40x125xi32, #tpu.memory_space<hbm>>
      tpu.wait_dma2 semaphore(%run_scoped3A : memref<!tpu.dma_semaphore, #tpu.memory_space<semaphore_mem>>) src(%dma_wait3A_30 : memref<40x125xi32, #tpu.memory_space<hbm>>) dst(%arg6 : memref<40x125xi32, #tpu.memory_space<vmem>>)
      tpu.yield
    }) : () -> ()
    %mul3A_3 = arith.constant 5000 : i32
    %mul3A_4 = arith.muli %add3A, %mul3A_3 : i32
    "tpu.region"() ({
      %run_scoped3A = tpu.sem_alloc : memref<!tpu.dma_semaphore, #tpu.memory_space<semaphore_mem>>
      %dma_start3A = arith.constant 0 : i32
      %dma_start3A_17 = tpu.memref_slice %arg2[%mul3A_4, %dma_start3A] : memref<160000x16xf32, #tpu.memory_space<hbm>> -> memref<5000x16xf32, #tpu.memory_space<hbm>>
      %dma_start3A_18 = arith.constant 0 : i32
      %dma_start3A_19 = tpu.memref_slice %arg2[%mul3A_4, %dma_start3A_18] : memref<160000x16xf32, #tpu.memory_space<hbm>> -> memref<5000x16xf32, #tpu.memory_space<hbm>>
      tpu.enqueue_dma source(%dma_start3A_19 : memref<5000x16xf32, #tpu.memory_space<hbm>>) target(%arg7 : memref<5000x16xf32, #tpu.memory_space<vmem>>) target_semaphore(%run_scoped3A : memref<!tpu.dma_semaphore, #tpu.memory_space<semaphore_mem>>)
      %dma_wait3A = arith.constant 0 : i32
      %dma_wait3A_20 = tpu.memref_slice %arg2[%mul3A_4, %dma_wait3A] : memref<160000x16xf32, #tpu.memory_space<hbm>> -> memref<5000x16xf32, #tpu.memory_space<hbm>>
      %dma_wait3A_21 = arith.constant 0 : i32
      %dma_wait3A_22 = tpu.memref_slice %arg2[%mul3A_4, %dma_wait3A_21] : memref<160000x16xf32, #tpu.memory_space<hbm>> -> memref<5000x16xf32, #tpu.memory_space<hbm>>
      tpu.wait_dma2 semaphore(%run_scoped3A : memref<!tpu.dma_semaphore, #tpu.memory_space<semaphore_mem>>) src(%dma_wait3A_22 : memref<5000x16xf32, #tpu.memory_space<hbm>>) dst(%arg7 : memref<5000x16xf32, #tpu.memory_space<vmem>>)
      tpu.yield
    }) : () -> ()
    %barrier3A = arith.constant 0 : index
    tpu.barrier barrier_id(%barrier3A)
    %scan3A = arith.constant 0 : i32
    %scan3A_5 = arith.constant 0 : i32
    %scan3A_6 = arith.constant 40 : i32
    %scan3A_7 = arith.addi %scan3A_5, %scan3A_6 : i32
    %scan3A_8 = arith.constant 1 : i32
    scf.for %scan3A_17 = %scan3A_5 to %scan3A_7 step %scan3A_8  : i32 {
      %mul3A_18 = arith.constant 125 : i32
      %mul3A_19 = arith.muli %scan3A_17, %mul3A_18 : i32
      %dma_start3A = arith.constant 0 : i32
      %dma_start3A_20 = tpu.memref_slice %arg7[%mul3A_19, %dma_start3A] : memref<5000x16xf32, #tpu.memory_space<vmem>> -> memref<125x16xf32, #tpu.memory_space<vmem>>
      %dma_start3A_21 = arith.constant 0 : i32
      %dma_start3A_22 = tpu.memref_slice %arg6[%scan3A_17, %dma_start3A_21] : memref<40x125xi32, #tpu.memory_space<vmem>> -> memref<1x125xi32, #tpu.memory_space<vmem>>
      %dma_start3A_23 = tpu.memref_squeeze %dma_start3A_22 : memref<1x125xi32, #tpu.memory_space<vmem>> -> memref<125xi32, #tpu.memory_space<vmem>>
      %dma_start3A_24 = arith.constant 0 : i32
      %dma_start3A_25 = arith.constant 0 : i32
      %dma_start3A_26 = tpu.memref_slice %arg8[%dma_start3A_24, %dma_start3A_25] : memref<10000x16xf32, #tpu.memory_space<vmem_shared>> -> memref<10000x16xf32, #tpu.memory_space<vmem_shared>>
      tpu.enqueue_indirect_dma source(%dma_start3A_20 : memref<125x16xf32, #tpu.memory_space<vmem>>) target(%dma_start3A_26 : memref<10000x16xf32, #tpu.memory_space<vmem_shared>>) offsets(%dma_start3A_23 : memref<125xi32, #tpu.memory_space<vmem>>) semaphore(%arg9 : memref<!tpu.dma_semaphore, #tpu.memory_space<semaphore_mem>>) {add = true}
    }
    %scan3A_9 = arith.constant 40 : i32
    %scan3A_10 = arith.constant 0 : i32
    %scan3A_11 = arith.constant 0 : i32
    %scan3A_12 = arith.constant 40 : i32
    %scan3A_13 = arith.addi %scan3A_11, %scan3A_12 : i32
    %scan3A_14 = arith.constant 1 : i32
    scf.for %scan3A_17 = %scan3A_11 to %scan3A_13 step %scan3A_14  : i32 {
      %mul3A_18 = arith.constant 125 : i32
      %mul3A_19 = arith.muli %scan3A_17, %mul3A_18 : i32
      %dma_wait3A = arith.constant 0 : i32
      %dma_wait3A_20 = tpu.memref_slice %arg7[%mul3A_19, %dma_wait3A] : memref<5000x16xf32, #tpu.memory_space<vmem>> -> memref<125x16xf32, #tpu.memory_space<vmem>>
      %dma_wait3A_21 = arith.constant 0 : i32
      %dma_wait3A_22 = tpu.memref_slice %arg6[%scan3A_17, %dma_wait3A_21] : memref<40x125xi32, #tpu.memory_space<vmem>> -> memref<1x125xi32, #tpu.memory_space<vmem>>
      %dma_wait3A_23 = tpu.memref_squeeze %dma_wait3A_22 : memref<1x125xi32, #tpu.memory_space<vmem>> -> memref<125xi32, #tpu.memory_space<vmem>>
      %dma_wait3A_24 = arith.constant 0 : i32
      %dma_wait3A_25 = arith.constant 0 : i32
      %dma_wait3A_26 = tpu.memref_slice %arg8[%dma_wait3A_24, %dma_wait3A_25] : memref<10000x16xf32, #tpu.memory_space<vmem_shared>> -> memref<10000x16xf32, #tpu.memory_space<vmem_shared>>
      tpu.wait_indirect_dma semaphore(%arg9 : memref<!tpu.dma_semaphore, #tpu.memory_space<semaphore_mem>>) src(%dma_wait3A_20 : memref<125x16xf32, #tpu.memory_space<vmem>>) dst(%dma_wait3A_26 : memref<10000x16xf32, #tpu.memory_space<vmem_shared>>)
    }
    %scan3A_15 = arith.constant 40 : i32
    %barrier3A_16 = arith.constant 0 : index
    tpu.barrier barrier_id(%barrier3A_16)
    "tpu.region"() ({
      %run_scoped3A = tpu.sem_alloc : memref<!tpu.dma_semaphore, #tpu.memory_space<semaphore_mem>>
      %dma_start3A = arith.constant 0 : i32
      %dma_start3A_17 = tpu.memref_slice %arg5[%arg0, %mul3A_2, %dma_start3A] : memref<2x10000x16xf32, #tpu.memory_space<hbm>> -> memref<1x625x16xf32, #tpu.memory_space<hbm>>
      %dma_start3A_18 = tpu.memref_squeeze %dma_start3A_17 : memref<1x625x16xf32, #tpu.memory_space<hbm>> -> memref<625x16xf32, #tpu.memory_space<hbm>>
      %dma_start3A_19 = arith.constant 0 : i32
      %dma_start3A_20 = tpu.memref_slice %arg8[%mul3A_2, %dma_start3A_19] : memref<10000x16xf32, #tpu.memory_space<vmem_shared>> -> memref<625x16xf32, #tpu.memory_space<vmem_shared>>
      tpu.enqueue_dma source(%dma_start3A_20 : memref<625x16xf32, #tpu.memory_space<vmem_shared>>) target(%dma_start3A_18 : memref<625x16xf32, #tpu.memory_space<hbm>>) target_semaphore(%run_scoped3A : memref<!tpu.dma_semaphore, #tpu.memory_space<semaphore_mem>>)
      %dma_wait3A = arith.constant 0 : i32
      %dma_wait3A_21 = tpu.memref_slice %arg5[%arg0, %mul3A_2, %dma_wait3A] : memref<2x10000x16xf32, #tpu.memory_space<hbm>> -> memref<1x625x16xf32, #tpu.memory_space<hbm>>
      %dma_wait3A_22 = tpu.memref_squeeze %dma_wait3A_21 : memref<1x625x16xf32, #tpu.memory_space<hbm>> -> memref<625x16xf32, #tpu.memory_space<hbm>>
      %dma_wait3A_23 = arith.constant 0 : i32
      %dma_wait3A_24 = tpu.memref_slice %arg8[%mul3A_2, %dma_wait3A_23] : memref<10000x16xf32, #tpu.memory_space<vmem_shared>> -> memref<625x16xf32, #tpu.memory_space<vmem_shared>>
      tpu.wait_dma2 semaphore(%run_scoped3A : memref<!tpu.dma_semaphore, #tpu.memory_space<semaphore_mem>>) src(%dma_wait3A_24 : memref<625x16xf32, #tpu.memory_space<vmem_shared>>) dst(%dma_wait3A_22 : memref<625x16xf32, #tpu.memory_space<hbm>>)
      tpu.yield
    }) : () -> ()
    return
  }
}

#map = affine_map<(d0, d1) -> (0, 0)>
#map1 = affine_map<(d0, d1) -> (0, 0, 0)>
module attributes {stable_mosaic.version = 14 : i64} {
  func.func @k(%arg0: i32, %arg1: i32, %arg2: memref<10000x16xf32, #tpu.memory_space<hbm>>, %arg3: memref<32x40x125xi32, #tpu.memory_space<hbm>>, %arg4: memref<160000x16xf32, #tpu.memory_space<hbm>>, %arg5: memref<40x125xi32, #tpu.memory_space<vmem>>, %arg6: memref<5000x16xf32, #tpu.memory_space<vmem>>, %arg7: memref<!tpu.dma_semaphore, #tpu.memory_space<semaphore_mem>>) attributes {dimension_semantics = [#tpu.dimension_semantics<core_parallel>, #tpu.dimension_semantics<subcore_parallel>], iteration_bounds = array<i64: 2, 16>, scalar_prefetch = 0 : i64, scratch_operands = 3 : i64, tpu.core_type = #tpu.core_type<sc_vector_subcore>, window_params = [{transform_indices = #map}, {transform_indices = #map1}, {transform_indices = #map}]} {
    %mul3A = arith.constant 16 : i32
    %mul3A_0 = arith.muli %arg0, %mul3A : i32
    %add3A = arith.addi %mul3A_0, %arg1 : i32
    "tpu.region"() ({
      %run_scoped3A = tpu.sem_alloc : memref<!tpu.dma_semaphore, #tpu.memory_space<semaphore_mem>>
      %dma_start3A = arith.constant 0 : i32
      %dma_start3A_14 = arith.constant 0 : i32
      %dma_start3A_15 = tpu.memref_slice %arg3[%add3A, %dma_start3A, %dma_start3A_14] : memref<32x40x125xi32, #tpu.memory_space<hbm>> -> memref<1x40x125xi32, #tpu.memory_space<hbm>>
      %dma_start3A_16 = tpu.memref_squeeze %dma_start3A_15 : memref<1x40x125xi32, #tpu.memory_space<hbm>> -> memref<40x125xi32, #tpu.memory_space<hbm>>
      %dma_start3A_17 = arith.constant 0 : i32
      %dma_start3A_18 = arith.constant 0 : i32
      %dma_start3A_19 = tpu.memref_slice %arg3[%add3A, %dma_start3A_17, %dma_start3A_18] : memref<32x40x125xi32, #tpu.memory_space<hbm>> -> memref<1x40x125xi32, #tpu.memory_space<hbm>>
      %dma_start3A_20 = tpu.memref_squeeze %dma_start3A_19 : memref<1x40x125xi32, #tpu.memory_space<hbm>> -> memref<40x125xi32, #tpu.memory_space<hbm>>
      tpu.enqueue_dma source(%dma_start3A_20 : memref<40x125xi32, #tpu.memory_space<hbm>>) target(%arg5 : memref<40x125xi32, #tpu.memory_space<vmem>>) target_semaphore(%run_scoped3A : memref<!tpu.dma_semaphore, #tpu.memory_space<semaphore_mem>>)
      %dma_wait3A = arith.constant 0 : i32
      %dma_wait3A_21 = arith.constant 0 : i32
      %dma_wait3A_22 = tpu.memref_slice %arg3[%add3A, %dma_wait3A, %dma_wait3A_21] : memref<32x40x125xi32, #tpu.memory_space<hbm>> -> memref<1x40x125xi32, #tpu.memory_space<hbm>>
      %dma_wait3A_23 = tpu.memref_squeeze %dma_wait3A_22 : memref<1x40x125xi32, #tpu.memory_space<hbm>> -> memref<40x125xi32, #tpu.memory_space<hbm>>
      %dma_wait3A_24 = arith.constant 0 : i32
      %dma_wait3A_25 = arith.constant 0 : i32
      %dma_wait3A_26 = tpu.memref_slice %arg3[%add3A, %dma_wait3A_24, %dma_wait3A_25] : memref<32x40x125xi32, #tpu.memory_space<hbm>> -> memref<1x40x125xi32, #tpu.memory_space<hbm>>
      %dma_wait3A_27 = tpu.memref_squeeze %dma_wait3A_26 : memref<1x40x125xi32, #tpu.memory_space<hbm>> -> memref<40x125xi32, #tpu.memory_space<hbm>>
      tpu.wait_dma2 semaphore(%run_scoped3A : memref<!tpu.dma_semaphore, #tpu.memory_space<semaphore_mem>>) src(%dma_wait3A_27 : memref<40x125xi32, #tpu.memory_space<hbm>>) dst(%arg5 : memref<40x125xi32, #tpu.memory_space<vmem>>)
      tpu.yield
    }) : () -> ()
    %scan3A = arith.constant 0 : i32
    %scan3A_1 = arith.constant 0 : i32
    %scan3A_2 = arith.constant 40 : i32
    %scan3A_3 = arith.addi %scan3A_1, %scan3A_2 : i32
    %scan3A_4 = arith.constant 1 : i32
    scf.for %scan3A_14 = %scan3A_1 to %scan3A_3 step %scan3A_4  : i32 {
      %mul3A_15 = arith.constant 125 : i32
      %mul3A_16 = arith.muli %scan3A_14, %mul3A_15 : i32
      %dma_start3A = arith.constant 0 : i32
      %dma_start3A_17 = tpu.memref_slice %arg6[%mul3A_16, %dma_start3A] : memref<5000x16xf32, #tpu.memory_space<vmem>> -> memref<125x16xf32, #tpu.memory_space<vmem>>
      %dma_start3A_18 = arith.constant 0 : i32
      %dma_start3A_19 = tpu.memref_slice %arg5[%scan3A_14, %dma_start3A_18] : memref<40x125xi32, #tpu.memory_space<vmem>> -> memref<1x125xi32, #tpu.memory_space<vmem>>
      %dma_start3A_20 = tpu.memref_squeeze %dma_start3A_19 : memref<1x125xi32, #tpu.memory_space<vmem>> -> memref<125xi32, #tpu.memory_space<vmem>>
      %dma_start3A_21 = arith.constant 0 : i32
      %dma_start3A_22 = arith.constant 0 : i32
      %dma_start3A_23 = tpu.memref_slice %arg2[%dma_start3A_21, %dma_start3A_22] : memref<10000x16xf32, #tpu.memory_space<hbm>> -> memref<10000x16xf32, #tpu.memory_space<hbm>>
      tpu.enqueue_indirect_dma source(%dma_start3A_23 : memref<10000x16xf32, #tpu.memory_space<hbm>>) target(%dma_start3A_17 : memref<125x16xf32, #tpu.memory_space<vmem>>) offsets(%dma_start3A_20 : memref<125xi32, #tpu.memory_space<vmem>>) semaphore(%arg7 : memref<!tpu.dma_semaphore, #tpu.memory_space<semaphore_mem>>)
    }
    %scan3A_5 = arith.constant 40 : i32
    %scan3A_6 = arith.constant 0 : i32
    %scan3A_7 = arith.constant 0 : i32
    %scan3A_8 = arith.constant 40 : i32
    %scan3A_9 = arith.addi %scan3A_7, %scan3A_8 : i32
    %scan3A_10 = arith.constant 1 : i32
    scf.for %scan3A_14 = %scan3A_7 to %scan3A_9 step %scan3A_10  : i32 {
      %mul3A_15 = arith.constant 125 : i32
      %mul3A_16 = arith.muli %scan3A_14, %mul3A_15 : i32
      %dma_wait3A = arith.constant 0 : i32
      %dma_wait3A_17 = tpu.memref_slice %arg6[%mul3A_16, %dma_wait3A] : memref<5000x16xf32, #tpu.memory_space<vmem>> -> memref<125x16xf32, #tpu.memory_space<vmem>>
      %dma_wait3A_18 = arith.constant 0 : i32
      %dma_wait3A_19 = tpu.memref_slice %arg5[%scan3A_14, %dma_wait3A_18] : memref<40x125xi32, #tpu.memory_space<vmem>> -> memref<1x125xi32, #tpu.memory_space<vmem>>
      %dma_wait3A_20 = tpu.memref_squeeze %dma_wait3A_19 : memref<1x125xi32, #tpu.memory_space<vmem>> -> memref<125xi32, #tpu.memory_space<vmem>>
      %dma_wait3A_21 = arith.constant 0 : i32
      %dma_wait3A_22 = arith.constant 0 : i32
      %dma_wait3A_23 = tpu.memref_slice %arg2[%dma_wait3A_21, %dma_wait3A_22] : memref<10000x16xf32, #tpu.memory_space<hbm>> -> memref<10000x16xf32, #tpu.memory_space<hbm>>
      tpu.wait_indirect_dma semaphore(%arg7 : memref<!tpu.dma_semaphore, #tpu.memory_space<semaphore_mem>>) src(%dma_wait3A_23 : memref<10000x16xf32, #tpu.memory_space<hbm>>) dst(%dma_wait3A_17 : memref<125x16xf32, #tpu.memory_space<vmem>>)
    }
    %scan3A_11 = arith.constant 40 : i32
    %mul3A_12 = arith.constant 5000 : i32
    %mul3A_13 = arith.muli %add3A, %mul3A_12 : i32
    "tpu.region"() ({
      %run_scoped3A = tpu.sem_alloc : memref<!tpu.dma_semaphore, #tpu.memory_space<semaphore_mem>>
      %dma_start3A = arith.constant 0 : i32
      %dma_start3A_14 = tpu.memref_slice %arg4[%mul3A_13, %dma_start3A] : memref<160000x16xf32, #tpu.memory_space<hbm>> -> memref<5000x16xf32, #tpu.memory_space<hbm>>
      %dma_start3A_15 = arith.constant 0 : i32
      %dma_start3A_16 = tpu.memref_slice %arg4[%mul3A_13, %dma_start3A_15] : memref<160000x16xf32, #tpu.memory_space<hbm>> -> memref<5000x16xf32, #tpu.memory_space<hbm>>
      tpu.enqueue_dma source(%arg6 : memref<5000x16xf32, #tpu.memory_space<vmem>>) target(%dma_start3A_16 : memref<5000x16xf32, #tpu.memory_space<hbm>>) target_semaphore(%run_scoped3A : memref<!tpu.dma_semaphore, #tpu.memory_space<semaphore_mem>>)
      %dma_wait3A = arith.constant 0 : i32
      %dma_wait3A_17 = tpu.memref_slice %arg4[%mul3A_13, %dma_wait3A] : memref<160000x16xf32, #tpu.memory_space<hbm>> -> memref<5000x16xf32, #tpu.memory_space<hbm>>
      %dma_wait3A_18 = arith.constant 0 : i32
      %dma_wait3A_19 = tpu.memref_slice %arg4[%mul3A_13, %dma_wait3A_18] : memref<160000x16xf32, #tpu.memory_space<hbm>> -> memref<5000x16xf32, #tpu.memory_space<hbm>>
      tpu.wait_dma2 semaphore(%run_scoped3A : memref<!tpu.dma_semaphore, #tpu.memory_space<semaphore_mem>>) src(%arg6 : memref<5000x16xf32, #tpu.memory_space<vmem>>) dst(%dma_wait3A_19 : memref<5000x16xf32, #tpu.memory_space<hbm>>)
      tpu.yield
    }) : () -> ()
    return
  }
}

#map = affine_map<(d0, d1) -> (0, 0)>
#map1 = affine_map<(d0, d1) -> (0, 0, 0)>
module attributes {stable_mosaic.version = 14 : i64} {
  func.func @k(%arg0: i32, %arg1: i32, %arg2: memref<160000x16xf32, #tpu.memory_space<hbm>>, %arg3: memref<32x40x125xi32, #tpu.memory_space<hbm>>, %arg4: memref<10000x16xf32, #tpu.memory_space<hbm>>, %arg5: memref<2x10000x16xf32, #tpu.memory_space<hbm>>, %arg6: memref<40x125xi32, #tpu.memory_space<vmem>>, %arg7: memref<5000x16xf32, #tpu.memory_space<vmem>>, %arg8: memref<10000x16xf32, #tpu.memory_space<vmem_shared>>, %arg9: memref<!tpu.dma_semaphore, #tpu.memory_space<semaphore_mem>>) attributes {dimension_semantics = [#tpu.dimension_semantics<core_parallel>, #tpu.dimension_semantics<subcore_parallel>], iteration_bounds = array<i64: 2, 16>, scalar_prefetch = 0 : i64, scratch_operands = 4 : i64, tpu.core_type = #tpu.core_type<sc_vector_subcore>, window_params = [{transform_indices = #map}, {transform_indices = #map1}, {transform_indices = #map}, {transform_indices = #map1}]} {
    %mul3A = arith.constant 16 : i32
    %mul3A_0 = arith.muli %arg0, %mul3A : i32
    %add3A = arith.addi %mul3A_0, %arg1 : i32
    %mul3A_1 = arith.constant 625 : i32
    %mul3A_2 = arith.muli %arg1, %mul3A_1 : i32
    "tpu.region"() ({
      %run_scoped3A = tpu.sem_alloc : memref<!tpu.dma_semaphore, #tpu.memory_space<semaphore_mem>>
      %dma_start3A = arith.constant 0 : i32
      %dma_start3A_17 = tpu.memref_slice %arg8[%mul3A_2, %dma_start3A] : memref<10000x16xf32, #tpu.memory_space<vmem_shared>> -> memref<625x16xf32, #tpu.memory_space<vmem_shared>>
      %dma_start3A_18 = arith.constant 0 : i32
      %dma_start3A_19 = tpu.memref_slice %arg4[%mul3A_2, %dma_start3A_18] : memref<10000x16xf32, #tpu.memory_space<hbm>> -> memref<625x16xf32, #tpu.memory_space<hbm>>
      tpu.enqueue_dma source(%dma_start3A_19 : memref<625x16xf32, #tpu.memory_space<hbm>>) target(%dma_start3A_17 : memref<625x16xf32, #tpu.memory_space<vmem_shared>>) target_semaphore(%run_scoped3A : memref<!tpu.dma_semaphore, #tpu.memory_space<semaphore_mem>>)
      %dma_wait3A = arith.constant 0 : i32
      %dma_wait3A_20 = tpu.memref_slice %arg8[%mul3A_2, %dma_wait3A] : memref<10000x16xf32, #tpu.memory_space<vmem_shared>> -> memref<625x16xf32, #tpu.memory_space<vmem_shared>>
      %dma_wait3A_21 = arith.constant 0 : i32
      %dma_wait3A_22 = tpu.memref_slice %arg4[%mul3A_2, %dma_wait3A_21] : memref<10000x16xf32, #tpu.memory_space<hbm>> -> memref<625x16xf32, #tpu.memory_space<hbm>>
      tpu.wait_dma2 semaphore(%run_scoped3A : memref<!tpu.dma_semaphore, #tpu.memory_space<semaphore_mem>>) src(%dma_wait3A_22 : memref<625x16xf32, #tpu.memory_space<hbm>>) dst(%dma_wait3A_20 : memref<625x16xf32, #tpu.memory_space<vmem_shared>>)
      tpu.yield
    }) : () -> ()
    "tpu.region"() ({
      %run_scoped3A = tpu.sem_alloc : memref<!tpu.dma_semaphore, #tpu.memory_space<semaphore_mem>>
      %dma_start3A = arith.constant 0 : i32
      %dma_start3A_17 = arith.constant 0 : i32
      %dma_start3A_18 = tpu.memref_slice %arg3[%add3A, %dma_start3A, %dma_start3A_17] : memref<32x40x125xi32, #tpu.memory_space<hbm>> -> memref<1x40x125xi32, #tpu.memory_space<hbm>>
      %dma_start3A_19 = tpu.memref_squeeze %dma_start3A_18 : memref<1x40x125xi32, #tpu.memory_space<hbm>> -> memref<40x125xi32, #tpu.memory_space<hbm>>
      %dma_start3A_20 = arith.constant 0 : i32
      %dma_start3A_21 = arith.constant 0 : i32
      %dma_start3A_22 = tpu.memref_slice %arg3[%add3A, %dma_start3A_20, %dma_start3A_21] : memref<32x40x125xi32, #tpu.memory_space<hbm>> -> memref<1x40x125xi32, #tpu.memory_space<hbm>>
      %dma_start3A_23 = tpu.memref_squeeze %dma_start3A_22 : memref<1x40x125xi32, #tpu.memory_space<hbm>> -> memref<40x125xi32, #tpu.memory_space<hbm>>
      tpu.enqueue_dma source(%dma_start3A_23 : memref<40x125xi32, #tpu.memory_space<hbm>>) target(%arg6 : memref<40x125xi32, #tpu.memory_space<vmem>>) target_semaphore(%run_scoped3A : memref<!tpu.dma_semaphore, #tpu.memory_space<semaphore_mem>>)
      %dma_wait3A = arith.constant 0 : i32
      %dma_wait3A_24 = arith.constant 0 : i32
      %dma_wait3A_25 = tpu.memref_slice %arg3[%add3A, %dma_wait3A, %dma_wait3A_24] : memref<32x40x125xi32, #tpu.memory_space<hbm>> -> memref<1x40x125xi32, #tpu.memory_space<hbm>>
      %dma_wait3A_26 = tpu.memref_squeeze %dma_wait3A_25 : memref<1x40x125xi32, #tpu.memory_space<hbm>> -> memref<40x125xi32, #tpu.memory_space<hbm>>
      %dma_wait3A_27 = arith.constant 0 : i32
      %dma_wait3A_28 = arith.constant 0 : i32
      %dma_wait3A_29 = tpu.memref_slice %arg3[%add3A, %dma_wait3A_27, %dma_wait3A_28] : memref<32x40x125xi32, #tpu.memory_space<hbm>> -> memref<1x40x125xi32, #tpu.memory_space<hbm>>
      %dma_wait3A_30 = tpu.memref_squeeze %dma_wait3A_29 : memref<1x40x125xi32, #tpu.memory_space<hbm>> -> memref<40x125xi32, #tpu.memory_space<hbm>>
      tpu.wait_dma2 semaphore(%run_scoped3A : memref<!tpu.dma_semaphore, #tpu.memory_space<semaphore_mem>>) src(%dma_wait3A_30 : memref<40x125xi32, #tpu.memory_space<hbm>>) dst(%arg6 : memref<40x125xi32, #tpu.memory_space<vmem>>)
      tpu.yield
    }) : () -> ()
    %mul3A_3 = arith.constant 5000 : i32
    %mul3A_4 = arith.muli %add3A, %mul3A_3 : i32
    "tpu.region"() ({
      %run_scoped3A = tpu.sem_alloc : memref<!tpu.dma_semaphore, #tpu.memory_space<semaphore_mem>>
      %dma_start3A = arith.constant 0 : i32
      %dma_start3A_17 = tpu.memref_slice %arg2[%mul3A_4, %dma_start3A] : memref<160000x16xf32, #tpu.memory_space<hbm>> -> memref<5000x16xf32, #tpu.memory_space<hbm>>
      %dma_start3A_18 = arith.constant 0 : i32
      %dma_start3A_19 = tpu.memref_slice %arg2[%mul3A_4, %dma_start3A_18] : memref<160000x16xf32, #tpu.memory_space<hbm>> -> memref<5000x16xf32, #tpu.memory_space<hbm>>
      tpu.enqueue_dma source(%dma_start3A_19 : memref<5000x16xf32, #tpu.memory_space<hbm>>) target(%arg7 : memref<5000x16xf32, #tpu.memory_space<vmem>>) target_semaphore(%run_scoped3A : memref<!tpu.dma_semaphore, #tpu.memory_space<semaphore_mem>>)
      %dma_wait3A = arith.constant 0 : i32
      %dma_wait3A_20 = tpu.memref_slice %arg2[%mul3A_4, %dma_wait3A] : memref<160000x16xf32, #tpu.memory_space<hbm>> -> memref<5000x16xf32, #tpu.memory_space<hbm>>
      %dma_wait3A_21 = arith.constant 0 : i32
      %dma_wait3A_22 = tpu.memref_slice %arg2[%mul3A_4, %dma_wait3A_21] : memref<160000x16xf32, #tpu.memory_space<hbm>> -> memref<5000x16xf32, #tpu.memory_space<hbm>>
      tpu.wait_dma2 semaphore(%run_scoped3A : memref<!tpu.dma_semaphore, #tpu.memory_space<semaphore_mem>>) src(%dma_wait3A_22 : memref<5000x16xf32, #tpu.memory_space<hbm>>) dst(%arg7 : memref<5000x16xf32, #tpu.memory_space<vmem>>)
      tpu.yield
    }) : () -> ()
    %barrier3A = arith.constant 0 : index
    tpu.barrier barrier_id(%barrier3A)
    %scan3A = arith.constant 0 : i32
    %scan3A_5 = arith.constant 0 : i32
    %scan3A_6 = arith.constant 40 : i32
    %scan3A_7 = arith.addi %scan3A_5, %scan3A_6 : i32
    %scan3A_8 = arith.constant 1 : i32
    scf.for %scan3A_17 = %scan3A_5 to %scan3A_7 step %scan3A_8  : i32 {
      %mul3A_18 = arith.constant 125 : i32
      %mul3A_19 = arith.muli %scan3A_17, %mul3A_18 : i32
      %dma_start3A = arith.constant 0 : i32
      %dma_start3A_20 = tpu.memref_slice %arg7[%mul3A_19, %dma_start3A] : memref<5000x16xf32, #tpu.memory_space<vmem>> -> memref<125x16xf32, #tpu.memory_space<vmem>>
      %dma_start3A_21 = arith.constant 0 : i32
      %dma_start3A_22 = tpu.memref_slice %arg6[%scan3A_17, %dma_start3A_21] : memref<40x125xi32, #tpu.memory_space<vmem>> -> memref<1x125xi32, #tpu.memory_space<vmem>>
      %dma_start3A_23 = tpu.memref_squeeze %dma_start3A_22 : memref<1x125xi32, #tpu.memory_space<vmem>> -> memref<125xi32, #tpu.memory_space<vmem>>
      %dma_start3A_24 = arith.constant 0 : i32
      %dma_start3A_25 = arith.constant 0 : i32
      %dma_start3A_26 = tpu.memref_slice %arg8[%dma_start3A_24, %dma_start3A_25] : memref<10000x16xf32, #tpu.memory_space<vmem_shared>> -> memref<10000x16xf32, #tpu.memory_space<vmem_shared>>
      tpu.enqueue_indirect_dma source(%dma_start3A_20 : memref<125x16xf32, #tpu.memory_space<vmem>>) target(%dma_start3A_26 : memref<10000x16xf32, #tpu.memory_space<vmem_shared>>) offsets(%dma_start3A_23 : memref<125xi32, #tpu.memory_space<vmem>>) semaphore(%arg9 : memref<!tpu.dma_semaphore, #tpu.memory_space<semaphore_mem>>) {add = true}
    }
    %scan3A_9 = arith.constant 40 : i32
    %scan3A_10 = arith.constant 0 : i32
    %scan3A_11 = arith.constant 0 : i32
    %scan3A_12 = arith.constant 40 : i32
    %scan3A_13 = arith.addi %scan3A_11, %scan3A_12 : i32
    %scan3A_14 = arith.constant 1 : i32
    scf.for %scan3A_17 = %scan3A_11 to %scan3A_13 step %scan3A_14  : i32 {
      %mul3A_18 = arith.constant 125 : i32
      %mul3A_19 = arith.muli %scan3A_17, %mul3A_18 : i32
      %dma_wait3A = arith.constant 0 : i32
      %dma_wait3A_20 = tpu.memref_slice %arg7[%mul3A_19, %dma_wait3A] : memref<5000x16xf32, #tpu.memory_space<vmem>> -> memref<125x16xf32, #tpu.memory_space<vmem>>
      %dma_wait3A_21 = arith.constant 0 : i32
      %dma_wait3A_22 = tpu.memref_slice %arg6[%scan3A_17, %dma_wait3A_21] : memref<40x125xi32, #tpu.memory_space<vmem>> -> memref<1x125xi32, #tpu.memory_space<vmem>>
      %dma_wait3A_23 = tpu.memref_squeeze %dma_wait3A_22 : memref<1x125xi32, #tpu.memory_space<vmem>> -> memref<125xi32, #tpu.memory_space<vmem>>
      %dma_wait3A_24 = arith.constant 0 : i32
      %dma_wait3A_25 = arith.constant 0 : i32
      %dma_wait3A_26 = tpu.memref_slice %arg8[%dma_wait3A_24, %dma_wait3A_25] : memref<10000x16xf32, #tpu.memory_space<vmem_shared>> -> memref<10000x16xf32, #tpu.memory_space<vmem_shared>>
      tpu.wait_indirect_dma semaphore(%arg9 : memref<!tpu.dma_semaphore, #tpu.memory_space<semaphore_mem>>) src(%dma_wait3A_20 : memref<125x16xf32, #tpu.memory_space<vmem>>) dst(%dma_wait3A_26 : memref<10000x16xf32, #tpu.memory_space<vmem_shared>>)
    }
    %scan3A_15 = arith.constant 40 : i32
    %barrier3A_16 = arith.constant 0 : index
    tpu.barrier barrier_id(%barrier3A_16)
    "tpu.region"() ({
      %run_scoped3A = tpu.sem_alloc : memref<!tpu.dma_semaphore, #tpu.memory_space<semaphore_mem>>
      %dma_start3A = arith.constant 0 : i32
      %dma_start3A_17 = tpu.memref_slice %arg5[%arg0, %mul3A_2, %dma_start3A] : memref<2x10000x16xf32, #tpu.memory_space<hbm>> -> memref<1x625x16xf32, #tpu.memory_space<hbm>>
      %dma_start3A_18 = tpu.memref_squeeze %dma_start3A_17 : memref<1x625x16xf32, #tpu.memory_space<hbm>> -> memref<625x16xf32, #tpu.memory_space<hbm>>
      %dma_start3A_19 = arith.constant 0 : i32
      %dma_start3A_20 = tpu.memref_slice %arg8[%mul3A_2, %dma_start3A_19] : memref<10000x16xf32, #tpu.memory_space<vmem_shared>> -> memref<625x16xf32, #tpu.memory_space<vmem_shared>>
      tpu.enqueue_dma source(%dma_start3A_20 : memref<625x16xf32, #tpu.memory_space<vmem_shared>>) target(%dma_start3A_18 : memref<625x16xf32, #tpu.memory_space<hbm>>) target_semaphore(%run_scoped3A : memref<!tpu.dma_semaphore, #tpu.memory_space<semaphore_mem>>)
      %dma_wait3A = arith.constant 0 : i32
      %dma_wait3A_21 = tpu.memref_slice %arg5[%arg0, %mul3A_2, %dma_wait3A] : memref<2x10000x16xf32, #tpu.memory_space<hbm>> -> memref<1x625x16xf32, #tpu.memory_space<hbm>>
      %dma_wait3A_22 = tpu.memref_squeeze %dma_wait3A_21 : memref<1x625x16xf32, #tpu.memory_space<hbm>> -> memref<625x16xf32, #tpu.memory_space<hbm>>
      %dma_wait3A_23 = arith.constant 0 : i32
      %dma_wait3A_24 = tpu.memref_slice %arg8[%mul3A_2, %dma_wait3A_23] : memref<10000x16xf32, #tpu.memory_space<vmem_shared>> -> memref<625x16xf32, #tpu.memory_space<vmem_shared>>
      tpu.wait_dma2 semaphore(%run_scoped3A : memref<!tpu.dma_semaphore, #tpu.memory_space<semaphore_mem>>) src(%dma_wait3A_24 : memref<625x16xf32, #tpu.memory_space<vmem_shared>>) dst(%dma_wait3A_22 : memref<625x16xf32, #tpu.memory_space<hbm>>)
      tpu.yield
    }) : () -> ()
    return
  }
}

module attributes {stable_mosaic.version = 14 : i64} {
  func.func @_lin0_body(%arg0: i32, %arg1: memref<1250x1024xf32, #tpu.memory_space<vmem>>, %arg2: memref<1024x128xf32, #tpu.memory_space<vmem>>, %arg3: memref<1x128xf32, #tpu.memory_space<vmem>>, %arg4: memref<1250x128xf32, #tpu.memory_space<vmem>>) attributes {dimension_semantics = [#tpu.dimension_semantics<arbitrary>], iteration_bounds = array<i64: 1>, scalar_prefetch = 0 : i64, scratch_operands = 0 : i64, tpu.core_type = #tpu.core_type<tc>, window_params = [{pipeline_mode = #tpu.pipeline_mode<synchronous>, transform_indices = @transform_0, window_bounds = array<i64: 1250, 1024>}, {pipeline_mode = #tpu.pipeline_mode<synchronous>, transform_indices = @transform_1, window_bounds = array<i64: 1024, 128>}, {pipeline_mode = #tpu.pipeline_mode<synchronous>, transform_indices = @transform_2, window_bounds = array<i64: 1, 128>}, {pipeline_mode = #tpu.pipeline_mode<synchronous>, transform_indices = @transform_3, window_bounds = array<i64: 1250, 128>}]} {
    %get3A = arith.constant 0 : index
    %get3A_0 = arith.constant 0 : index
    %get3A_1 = vector.load %arg1[%get3A, %get3A_0] : memref<1250x1024xf32, #tpu.memory_space<vmem>>, vector<1250x1024xf32>
    %get3A_2 = arith.constant 0 : index
    %get3A_3 = arith.constant 0 : index
    %get3A_4 = vector.load %arg2[%get3A_2, %get3A_3] : memref<1024x128xf32, #tpu.memory_space<vmem>>, vector<1024x128xf32>
    %dot_general3A = arith.constant dense<0.000000e+00> : vector<1250x128xf32>
    %dot_general3A_5 = tpu.matmul %get3A_1, %get3A_4, %dot_general3A {dimension_numbers = #tpu.dot_dimension_numbers<[1], [0], [0], [1], [0, 0, 1, 1], [], []>, transpose_lhs_hint = false} : vector<1250x1024xf32>, vector<1024x128xf32>, vector<1250x128xf32> -> vector<1250x128xf32>
    %get3A_6 = arith.constant 0 : index
    %get3A_7 = arith.constant 0 : index
    %get3A_8 = vector.load %arg3[%get3A_6, %get3A_7] : memref<1x128xf32, #tpu.memory_space<vmem>>, vector<1x128xf32>
    %add3A = vector.broadcast %get3A_8 : vector<1x128xf32> to vector<1250x128xf32>
    %add3A_9 = arith.addf %dot_general3A_5, %add3A : vector<1250x128xf32>
    %max3A = arith.constant 0.000000e+00 : f32
    %max3A_10 = vector.broadcast %max3A : f32 to vector<1250x128xf32>
    %max3A_11 = arith.maximumf %add3A_9, %max3A_10 : vector<1250x128xf32>
    %swap3A = arith.constant 0 : index
    %swap3A_12 = arith.constant 0 : index
    %swap3A_13 = vector.load %arg4[%swap3A, %swap3A_12] : memref<1250x128xf32, #tpu.memory_space<vmem>>, vector<1250x128xf32>
    tpu.vector_store %arg4[%swap3A, %swap3A_12], %max3A_11 {strides = array<i32>} : memref<1250x128xf32, #tpu.memory_space<vmem>>, vector<1250x128xf32>,
    return
  }
  func.func @transform_0(%arg0: i32) -> (i32, i32) {
    %c0_i32 = arith.constant 0 : i32
    %c0_i32_0 = arith.constant 0 : i32
    %c0_i32_1 = arith.constant 0 : i32
    return %c0_i32, %c0_i32_0 : i32, i32
  }
  func.func @transform_1(%arg0: i32) -> (i32, i32) {
    %c0_i32 = arith.constant 0 : i32
    %c0_i32_0 = arith.constant 0 : i32
    %c0_i32_1 = arith.constant 0 : i32
    return %c0_i32, %c0_i32_0 : i32, i32
  }
  func.func @transform_2(%arg0: i32) -> (i32, i32) {
    %c0_i32 = arith.constant 0 : i32
    %c0_i32_0 = arith.constant 0 : i32
    %c0_i32_1 = arith.constant 0 : i32
    return %c0_i32, %c0_i32_0 : i32, i32
  }
  func.func @transform_3(%arg0: i32) -> (i32, i32) {
    %c0_i32 = arith.constant 0 : i32
    %c0_i32_0 = arith.constant 0 : i32
    %c0_i32_1 = arith.constant 0 : i32
    return %c0_i32, %c0_i32_0 : i32, i32
  }
}

module attributes {stable_mosaic.version = 14 : i64} {
  func.func @_edge_body(%arg0: i32, %arg1: memref<2000x128xf32, #tpu.memory_space<vmem>>, %arg2: memref<2000x128xf32, #tpu.memory_space<vmem>>, %arg3: memref<128x2048xf32, #tpu.memory_space<vmem>>, %arg4: memref<128x2048xf32, #tpu.memory_space<vmem>>, %arg5: memref<256x16xf32, #tpu.memory_space<vmem>>, %arg6: memref<128x128xf32, #tpu.memory_space<vmem>>, %arg7: memref<2000x128xf32, #tpu.memory_space<vmem>>) attributes {dimension_semantics = [#tpu.dimension_semantics<arbitrary>], iteration_bounds = array<i64: 10>, scalar_prefetch = 0 : i64, scratch_operands = 0 : i64, tpu.core_type = #tpu.core_type<tc>, window_params = [{transform_indices = @transform_0, window_bounds = array<i64: 2000, 128>}, {transform_indices = @transform_1, window_bounds = array<i64: 2000, 128>}, {pipeline_mode = #tpu.pipeline_mode<synchronous>, transform_indices = @transform_2, window_bounds = array<i64: 128, 2048>}, {pipeline_mode = #tpu.pipeline_mode<synchronous>, transform_indices = @transform_3, window_bounds = array<i64: 128, 2048>}, {pipeline_mode = #tpu.pipeline_mode<synchronous>, transform_indices = @transform_4, window_bounds = array<i64: 256, 16>}, {pipeline_mode = #tpu.pipeline_mode<synchronous>, transform_indices = @transform_5, window_bounds = array<i64: 128, 128>}, {transform_indices = @transform_6, window_bounds = array<i64: 2000, 128>}]} {
    %get3A = arith.constant 0 : index
    %get3A_0 = arith.constant 0 : index
    %get3A_1 = vector.load %arg1[%get3A, %get3A_0] : memref<2000x128xf32, #tpu.memory_space<vmem>>, vector<2000x128xf32>
    %get3A_2 = arith.constant 0 : index
    %get3A_3 = arith.constant 0 : index
    %get3A_4 = vector.load %arg3[%get3A_2, %get3A_3] : memref<128x2048xf32, #tpu.memory_space<vmem>>, vector<128x2048xf32>
    %dot_general3A = arith.constant dense<0.000000e+00> : vector<2000x2048xf32>
    %dot_general3A_5 = tpu.matmul %get3A_1, %get3A_4, %dot_general3A {dimension_numbers = #tpu.dot_dimension_numbers<[1], [0], [0], [1], [0, 0, 1, 1], [], []>, transpose_lhs_hint = false} : vector<2000x128xf32>, vector<128x2048xf32>, vector<2000x2048xf32> -> vector<2000x2048xf32>
    %get3A_6 = arith.constant 0 : index
    %get3A_7 = arith.constant 0 : index
    %get3A_8 = vector.load %arg2[%get3A_6, %get3A_7] : memref<2000x128xf32, #tpu.memory_space<vmem>>, vector<2000x128xf32>
    %get3A_9 = arith.constant 0 : index
    %get3A_10 = arith.constant 0 : index
    %get3A_11 = vector.load %arg4[%get3A_9, %get3A_10] : memref<128x2048xf32, #tpu.memory_space<vmem>>, vector<128x2048xf32>
    %dot_general3A_12 = arith.constant dense<0.000000e+00> : vector<2000x2048xf32>
    %dot_general3A_13 = tpu.matmul %get3A_8, %get3A_11, %dot_general3A_12 {dimension_numbers = #tpu.dot_dimension_numbers<[1], [0], [0], [1], [0, 0, 1, 1], [], []>, transpose_lhs_hint = false} : vector<2000x128xf32>, vector<128x2048xf32>, vector<2000x2048xf32> -> vector<2000x2048xf32>
    %mul3A = arith.mulf %dot_general3A_5, %dot_general3A_13 : vector<2000x2048xf32>
    %get3A_14 = arith.constant 0 : index
    %get3A_15 = arith.constant 0 : index
    %get3A_16 = vector.load %arg5[%get3A_14, %get3A_15] : memref<256x16xf32, #tpu.memory_space<vmem>>, vector<256x16xf32>
    %slice3A = vector.extract_strided_slice %mul3A {offsets = [0, 0], sizes = [2000, 256], strides = [1, 1]} : vector<2000x2048xf32> to vector<2000x256xf32>
    %dot_general3A_17 = arith.constant dense<0.000000e+00> : vector<2000x16xf32>
    %dot_general3A_18 = tpu.matmul %slice3A, %get3A_16, %dot_general3A_17 {dimension_numbers = #tpu.dot_dimension_numbers<[1], [0], [0], [1], [0, 0, 1, 1], [], []>, transpose_lhs_hint = false} : vector<2000x256xf32>, vector<256x16xf32>, vector<2000x16xf32> -> vector<2000x16xf32>
    %slice3A_19 = vector.extract_strided_slice %mul3A {offsets = [0, 256], sizes = [2000, 256], strides = [1, 1]} : vector<2000x2048xf32> to vector<2000x256xf32>
    %dot_general3A_20 = arith.constant dense<0.000000e+00> : vector<2000x16xf32>
    %dot_general3A_21 = tpu.matmul %slice3A_19, %get3A_16, %dot_general3A_20 {dimension_numbers = #tpu.dot_dimension_numbers<[1], [0], [0], [1], [0, 0, 1, 1], [], []>, transpose_lhs_hint = false} : vector<2000x256xf32>, vector<256x16xf32>, vector<2000x16xf32> -> vector<2000x16xf32>
    %slice3A_22 = vector.extract_strided_slice %mul3A {offsets = [0, 512], sizes = [2000, 256], strides = [1, 1]} : vector<2000x2048xf32> to vector<2000x256xf32>
    %dot_general3A_23 = arith.constant dense<0.000000e+00> : vector<2000x16xf32>
    %dot_general3A_24 = tpu.matmul %slice3A_22, %get3A_16, %dot_general3A_23 {dimension_numbers = #tpu.dot_dimension_numbers<[1], [0], [0], [1], [0, 0, 1, 1], [], []>, transpose_lhs_hint = false} : vector<2000x256xf32>, vector<256x16xf32>, vector<2000x16xf32> -> vector<2000x16xf32>
    %slice3A_25 = vector.extract_strided_slice %mul3A {offsets = [0, 768], sizes = [2000, 256], strides = [1, 1]} : vector<2000x2048xf32> to vector<2000x256xf32>
    %dot_general3A_26 = arith.constant dense<0.000000e+00> : vector<2000x16xf32>
    %dot_general3A_27 = tpu.matmul %slice3A_25, %get3A_16, %dot_general3A_26 {dimension_numbers = #tpu.dot_dimension_numbers<[1], [0], [0], [1], [0, 0, 1, 1], [], []>, transpose_lhs_hint = false} : vector<2000x256xf32>, vector<256x16xf32>, vector<2000x16xf32> -> vector<2000x16xf32>
    %slice3A_28 = vector.extract_strided_slice %mul3A {offsets = [0, 1024], sizes = [2000, 256], strides = [1, 1]} : vector<2000x2048xf32> to vector<2000x256xf32>
    %dot_general3A_29 = arith.constant dense<0.000000e+00> : vector<2000x16xf32>
    %dot_general3A_30 = tpu.matmul %slice3A_28, %get3A_16, %dot_general3A_29 {dimension_numbers = #tpu.dot_dimension_numbers<[1], [0], [0], [1], [0, 0, 1, 1], [], []>, transpose_lhs_hint = false} : vector<2000x256xf32>, vector<256x16xf32>, vector<2000x16xf32> -> vector<2000x16xf32>
    %slice3A_31 = vector.extract_strided_slice %mul3A {offsets = [0, 1280], sizes = [2000, 256], strides = [1, 1]} : vector<2000x2048xf32> to vector<2000x256xf32>
    %dot_general3A_32 = arith.constant dense<0.000000e+00> : vector<2000x16xf32>
    %dot_general3A_33 = tpu.matmul %slice3A_31, %get3A_16, %dot_general3A_32 {dimension_numbers = #tpu.dot_dimension_numbers<[1], [0], [0], [1], [0, 0, 1, 1], [], []>, transpose_lhs_hint = false} : vector<2000x256xf32>, vector<256x16xf32>, vector<2000x16xf32> -> vector<2000x16xf32>
    %slice3A_34 = vector.extract_strided_slice %mul3A {offsets = [0, 1536], sizes = [2000, 256], strides = [1, 1]} : vector<2000x2048xf32> to vector<2000x256xf32>
    %dot_general3A_35 = arith.constant dense<0.000000e+00> : vector<2000x16xf32>
    %dot_general3A_36 = tpu.matmul %slice3A_34, %get3A_16, %dot_general3A_35 {dimension_numbers = #tpu.dot_dimension_numbers<[1], [0], [0], [1], [0, 0, 1, 1], [], []>, transpose_lhs_hint = false} : vector<2000x256xf32>, vector<256x16xf32>, vector<2000x16xf32> -> vector<2000x16xf32>
    %slice3A_37 = vector.extract_strided_slice %mul3A {offsets = [0, 1792], sizes = [2000, 256], strides = [1, 1]} : vector<2000x2048xf32> to vector<2000x256xf32>
    %dot_general3A_38 = arith.constant dense<0.000000e+00> : vector<2000x16xf32>
    %dot_general3A_39 = tpu.matmul %slice3A_37, %get3A_16, %dot_general3A_38 {dimension_numbers = #tpu.dot_dimension_numbers<[1], [0], [0], [1], [0, 0, 1, 1], [], []>, transpose_lhs_hint = false} : vector<2000x256xf32>, vector<256x16xf32>, vector<2000x16xf32> -> vector<2000x16xf32>
    %concatenate3A = tpu.concatenate %dot_general3A_18, %dot_general3A_21, %dot_general3A_24, %dot_general3A_27, %dot_general3A_30, %dot_general3A_33, %dot_general3A_36, %dot_general3A_39 in 1 : vector<2000x16xf32>, vector<2000x16xf32>, vector<2000x16xf32>, vector<2000x16xf32>, vector<2000x16xf32>, vector<2000x16xf32>, vector<2000x16xf32>, vector<2000x16xf32> -> vector<2000x128xf32>
    %get3A_40 = arith.constant 0 : index
    %get3A_41 = arith.constant 0 : index
    %get3A_42 = vector.load %arg6[%get3A_40, %get3A_41] : memref<128x128xf32, #tpu.memory_space<vmem>>, vector<128x128xf32>
    %dot_general3A_43 = arith.constant dense<0.000000e+00> : vector<2000x128xf32>
    %dot_general3A_44 = tpu.matmul %get3A_1, %get3A_42, %dot_general3A_43 {dimension_numbers = #tpu.dot_dimension_numbers<[1], [0], [0], [1], [0, 0, 1, 1], [], []>, transpose_lhs_hint = false} : vector<2000x128xf32>, vector<128x128xf32>, vector<2000x128xf32> -> vector<2000x128xf32>
    %add3A = arith.addf %concatenate3A, %dot_general3A_44 : vector<2000x128xf32>
    %swap3A = arith.constant 0 : index
    %swap3A_45 = arith.constant 0 : index
    %swap3A_46 = vector.load %arg7[%swap3A, %swap3A_45] : memref<2000x128xf32, #tpu.memory_space<vmem>>, vector<2000x128xf32>
    tpu.vector_store %arg7[%swap3A, %swap3A_45], %add3A {strides = array<i32>} : memref<2000x128xf32, #tpu.memory_space<vmem>>, vector<2000x128xf32>,
    return
  }
  func.func @transform_0(%arg0: i32) -> (i32, i32) {
    %c0_i32 = arith.constant 0 : i32
    %c0_i32_0 = arith.constant 0 : i32
    return %arg0, %c0_i32 : i32, i32
  }
  func.func @transform_1(%arg0: i32) -> (i32, i32) {
    %c0_i32 = arith.constant 0 : i32
    %c0_i32_0 = arith.constant 0 : i32
    return %arg0, %c0_i32 : i32, i32
  }
  func.func @transform_2(%arg0: i32) -> (i32, i32) {
    %c0_i32 = arith.constant 0 : i32
    %c0_i32_0 = arith.constant 0 : i32
    %c0_i32_1 = arith.constant 0 : i32
    return %c0_i32, %c0_i32_0 : i32, i32
  }
  func.func @transform_3(%arg0: i32) -> (i32, i32) {
    %c0_i32 = arith.constant 0 : i32
    %c0_i32_0 = arith.constant 0 : i32
    %c0_i32_1 = arith.constant 0 : i32
    return %c0_i32, %c0_i32_0 : i32, i32
  }
  func.func @transform_4(%arg0: i32) -> (i32, i32) {
    %c0_i32 = arith.constant 0 : i32
    %c0_i32_0 = arith.constant 0 : i32
    %c0_i32_1 = arith.constant 0 : i32
    return %c0_i32, %c0_i32_0 : i32, i32
  }
  func.func @transform_5(%arg0: i32) -> (i32, i32) {
    %c0_i32 = arith.constant 0 : i32
    %c0_i32_0 = arith.constant 0 : i32
    %c0_i32_1 = arith.constant 0 : i32
    return %c0_i32, %c0_i32_0 : i32, i32
  }
  func.func @transform_6(%arg0: i32) -> (i32, i32) {
    %c0_i32 = arith.constant 0 : i32
    %c0_i32_0 = arith.constant 0 : i32
    return %arg0, %c0_i32 : i32, i32
  }
}

module attributes {stable_mosaic.version = 14 : i64} {
  func.func @_node_body(%arg0: i32, %arg1: memref<2x1250x128xf32, #tpu.memory_space<vmem>>, %arg2: memref<1250x128xf32, #tpu.memory_space<vmem>>, %arg3: memref<128x128xf32, #tpu.memory_space<vmem>>, %arg4: memref<1x128xf32, #tpu.memory_space<vmem>>, %arg5: memref<128x128xf32, #tpu.memory_space<vmem>>, %arg6: memref<128x128xf32, #tpu.memory_space<vmem>>, %arg7: memref<128x128xf32, #tpu.memory_space<vmem>>, %arg8: memref<128x128xf32, #tpu.memory_space<vmem>>, %arg9: memref<128x128xf32, #tpu.memory_space<vmem>>, %arg10: memref<128x128xf32, #tpu.memory_space<vmem>>, %arg11: memref<1x128xf32, #tpu.memory_space<vmem>>, %arg12: memref<1x128xf32, #tpu.memory_space<vmem>>, %arg13: memref<1x128xf32, #tpu.memory_space<vmem>>, %arg14: memref<1x128xf32, #tpu.memory_space<vmem>>, %arg15: memref<1x128xf32, #tpu.memory_space<vmem>>, %arg16: memref<1x128xf32, #tpu.memory_space<vmem>>, %arg17: memref<1250x128xf32, #tpu.memory_space<vmem>>) attributes {dimension_semantics = [#tpu.dimension_semantics<arbitrary>], iteration_bounds = array<i64: 1>, scalar_prefetch = 0 : i64, scratch_operands = 0 : i64, tpu.core_type = #tpu.core_type<tc>, window_params = [{pipeline_mode = #tpu.pipeline_mode<synchronous>, transform_indices = @transform_0, window_bounds = array<i64: 2, 1250, 128>}, {pipeline_mode = #tpu.pipeline_mode<synchronous>, transform_indices = @transform_1, window_bounds = array<i64: 1250, 128>}, {pipeline_mode = #tpu.pipeline_mode<synchronous>, transform_indices = @transform_2, window_bounds = array<i64: 128, 128>}, {pipeline_mode = #tpu.pipeline_mode<synchronous>, transform_indices = @transform_3, window_bounds = array<i64: 1, 128>}, {pipeline_mode = #tpu.pipeline_mode<synchronous>, transform_indices = @transform_4, window_bounds = array<i64: 128, 128>}, {pipeline_mode = #tpu.pipeline_mode<synchronous>, transform_indices = @transform_5, window_bounds = array<i64: 128, 128>}, {pipeline_mode = #tpu.pipeline_mode<synchronous>, transform_indices = @transform_6, window_bounds = array<i64: 128, 128>}, {pipeline_mode = #tpu.pipeline_mode<synchronous>, transform_indices = @transform_7, window_bounds = array<i64: 128, 128>}, {pipeline_mode = #tpu.pipeline_mode<synchronous>, transform_indices = @transform_8, window_bounds = array<i64: 128, 128>}, {pipeline_mode = #tpu.pipeline_mode<synchronous>, transform_indices = @transform_9, window_bounds = array<i64: 128, 128>}, {pipeline_mode = #tpu.pipeline_mode<synchronous>, transform_indices = @transform_10, window_bounds = array<i64: 1, 128>}, {pipeline_mode = #tpu.pipeline_mode<synchronous>, transform_indices = @transform_11, window_bounds = array<i64: 1, 128>}, {pipeline_mode = #tpu.pipeline_mode<synchronous>, transform_indices = @transform_12, window_bounds = array<i64: 1, 128>}, {pipeline_mode = #tpu.pipeline_mode<synchronous>, transform_indices = @transform_13, window_bounds = array<i64: 1, 128>}, {pipeline_mode = #tpu.pipeline_mode<synchronous>, transform_indices = @transform_14, window_bounds = array<i64: 1, 128>}, {pipeline_mode = #tpu.pipeline_mode<synchronous>, transform_indices = @transform_15, window_bounds = array<i64: 1, 128>}, {pipeline_mode = #tpu.pipeline_mode<synchronous>, transform_indices = @transform_16, window_bounds = array<i64: 1250, 128>}]} {
    %get3A = arith.constant 0 : index
    %get3A_0 = arith.constant 0 : index
    %get3A_1 = vector.load %arg2[%get3A, %get3A_0] : memref<1250x128xf32, #tpu.memory_space<vmem>>, vector<1250x128xf32>
    %get3A_2 = arith.constant 0 : index
    %get3A_3 = arith.constant 0 : index
    %get3A_4 = arith.constant 0 : index
    %get3A_5 = vector.load %arg1[%get3A_2, %get3A_3, %get3A_4] : memref<2x1250x128xf32, #tpu.memory_space<vmem>>, vector<1x1250x128xf32>
    %get3A_6 = vector.shape_cast %get3A_5 : vector<1x1250x128xf32> to vector<1250x128xf32>
    %get3A_7 = arith.constant 1 : index
    %get3A_8 = arith.constant 0 : index
    %get3A_9 = arith.constant 0 : index
    %get3A_10 = vector.load %arg1[%get3A_7, %get3A_8, %get3A_9] : memref<2x1250x128xf32, #tpu.memory_space<vmem>>, vector<1x1250x128xf32>
    %get3A_11 = vector.shape_cast %get3A_10 : vector<1x1250x128xf32> to vector<1250x128xf32>
    %add3A = arith.addf %get3A_6, %get3A_11 : vector<1250x128xf32>
    %get3A_12 = arith.constant 0 : index
    %get3A_13 = arith.constant 0 : index
    %get3A_14 = vector.load %arg3[%get3A_12, %get3A_13] : memref<128x128xf32, #tpu.memory_space<vmem>>, vector<128x128xf32>
    %dot_general3A = arith.constant dense<0.000000e+00> : vector<1250x128xf32>
    %dot_general3A_15 = tpu.matmul %get3A_1, %get3A_14, %dot_general3A {dimension_numbers = #tpu.dot_dimension_numbers<[1], [0], [0], [1], [0, 0, 1, 1], [], []>, transpose_lhs_hint = false} : vector<1250x128xf32>, vector<128x128xf32>, vector<1250x128xf32> -> vector<1250x128xf32>
    %add3A_16 = arith.addf %add3A, %dot_general3A_15 : vector<1250x128xf32>
    %get3A_17 = arith.constant 0 : index
    %get3A_18 = arith.constant 0 : index
    %get3A_19 = vector.load %arg4[%get3A_17, %get3A_18] : memref<1x128xf32, #tpu.memory_space<vmem>>, vector<1x128xf32>
    %add3A_20 = vector.broadcast %get3A_19 : vector<1x128xf32> to vector<1250x128xf32>
    %add3A_21 = arith.addf %add3A_16, %add3A_20 : vector<1250x128xf32>
    %max3A = arith.constant 0.000000e+00 : f32
    %max3A_22 = vector.broadcast %max3A : f32 to vector<1250x128xf32>
    %max3A_23 = arith.maximumf %add3A_21, %max3A_22 : vector<1250x128xf32>
    %get3A_24 = arith.constant 0 : index
    %get3A_25 = arith.constant 0 : index
    %get3A_26 = vector.load %arg5[%get3A_24, %get3A_25] : memref<128x128xf32, #tpu.memory_space<vmem>>, vector<128x128xf32>
    %dot_general3A_27 = arith.constant dense<0.000000e+00> : vector<1250x128xf32>
    %dot_general3A_28 = tpu.matmul %max3A_23, %get3A_26, %dot_general3A_27 {dimension_numbers = #tpu.dot_dimension_numbers<[1], [0], [0], [1], [0, 0, 1, 1], [], []>, transpose_lhs_hint = false} : vector<1250x128xf32>, vector<128x128xf32>, vector<1250x128xf32> -> vector<1250x128xf32>
    %get3A_29 = arith.constant 0 : index
    %get3A_30 = arith.constant 0 : index
    %get3A_31 = vector.load %arg11[%get3A_29, %get3A_30] : memref<1x128xf32, #tpu.memory_space<vmem>>, vector<1x128xf32>
    %add3A_32 = vector.broadcast %get3A_31 : vector<1x128xf32> to vector<1250x128xf32>
    %add3A_33 = arith.addf %dot_general3A_28, %add3A_32 : vector<1250x128xf32>
    %get3A_34 = arith.constant 0 : index
    %get3A_35 = arith.constant 0 : index
    %get3A_36 = vector.load %arg8[%get3A_34, %get3A_35] : memref<128x128xf32, #tpu.memory_space<vmem>>, vector<128x128xf32>
    %dot_general3A_37 = arith.constant dense<0.000000e+00> : vector<1250x128xf32>
    %dot_general3A_38 = tpu.matmul %get3A_1, %get3A_36, %dot_general3A_37 {dimension_numbers = #tpu.dot_dimension_numbers<[1], [0], [0], [1], [0, 0, 1, 1], [], []>, transpose_lhs_hint = false} : vector<1250x128xf32>, vector<128x128xf32>, vector<1250x128xf32> -> vector<1250x128xf32>
    %add3A_39 = arith.addf %add3A_33, %dot_general3A_38 : vector<1250x128xf32>
    %get3A_40 = arith.constant 0 : index
    %get3A_41 = arith.constant 0 : index
    %get3A_42 = vector.load %arg14[%get3A_40, %get3A_41] : memref<1x128xf32, #tpu.memory_space<vmem>>, vector<1x128xf32>
    %add3A_43 = vector.broadcast %get3A_42 : vector<1x128xf32> to vector<1250x128xf32>
    %add3A_44 = arith.addf %add3A_39, %add3A_43 : vector<1250x128xf32>
    %neg3A = arith.constant 0.000000e+00 : f32
    %neg3A_45 = vector.broadcast %neg3A : f32 to vector<1250x128xf32>
    %neg3A_46 = arith.subf %neg3A_45, %add3A_44 : vector<1250x128xf32>
    %exp3A = math.exp %neg3A_46 : vector<1250x128xf32>
    %add3A_47 = arith.constant 1.000000e+00 : f32
    %add3A_48 = vector.broadcast %add3A_47 : f32 to vector<1250x128xf32>
    %add3A_49 = arith.addf %add3A_48, %exp3A : vector<1250x128xf32>
    %div3A = arith.constant 1.000000e+00 : f32
    %div3A_50 = vector.broadcast %div3A : f32 to vector<1250x128xf32>
    %div3A_51 = arith.divf %div3A_50, %add3A_49 : vector<1250x128xf32>
    %get3A_52 = arith.constant 0 : index
    %get3A_53 = arith.constant 0 : index
    %get3A_54 = vector.load %arg6[%get3A_52, %get3A_53] : memref<128x128xf32, #tpu.memory_space<vmem>>, vector<128x128xf32>
    %dot_general3A_55 = arith.constant dense<0.000000e+00> : vector<1250x128xf32>
    %dot_general3A_56 = tpu.matmul %max3A_23, %get3A_54, %dot_general3A_55 {dimension_numbers = #tpu.dot_dimension_numbers<[1], [0], [0], [1], [0, 0, 1, 1], [], []>, transpose_lhs_hint = false} : vector<1250x128xf32>, vector<128x128xf32>, vector<1250x128xf32> -> vector<1250x128xf32>
    %get3A_57 = arith.constant 0 : index
    %get3A_58 = arith.constant 0 : index
    %get3A_59 = vector.load %arg12[%get3A_57, %get3A_58] : memref<1x128xf32, #tpu.memory_space<vmem>>, vector<1x128xf32>
    %add3A_60 = vector.broadcast %get3A_59 : vector<1x128xf32> to vector<1250x128xf32>
    %add3A_61 = arith.addf %dot_general3A_56, %add3A_60 : vector<1250x128xf32>
    %get3A_62 = arith.constant 0 : index
    %get3A_63 = arith.constant 0 : index
    %get3A_64 = vector.load %arg9[%get3A_62, %get3A_63] : memref<128x128xf32, #tpu.memory_space<vmem>>, vector<128x128xf32>
    %dot_general3A_65 = arith.constant dense<0.000000e+00> : vector<1250x128xf32>
    %dot_general3A_66 = tpu.matmul %get3A_1, %get3A_64, %dot_general3A_65 {dimension_numbers = #tpu.dot_dimension_numbers<[1], [0], [0], [1], [0, 0, 1, 1], [], []>, transpose_lhs_hint = false} : vector<1250x128xf32>, vector<128x128xf32>, vector<1250x128xf32> -> vector<1250x128xf32>
    %add3A_67 = arith.addf %add3A_61, %dot_general3A_66 : vector<1250x128xf32>
    %get3A_68 = arith.constant 0 : index
    %get3A_69 = arith.constant 0 : index
    %get3A_70 = vector.load %arg15[%get3A_68, %get3A_69] : memref<1x128xf32, #tpu.memory_space<vmem>>, vector<1x128xf32>
    %add3A_71 = vector.broadcast %get3A_70 : vector<1x128xf32> to vector<1250x128xf32>
    %add3A_72 = arith.addf %add3A_67, %add3A_71 : vector<1250x128xf32>
    %neg3A_73 = arith.constant 0.000000e+00 : f32
    %neg3A_74 = vector.broadcast %neg3A_73 : f32 to vector<1250x128xf32>
    %neg3A_75 = arith.subf %neg3A_74, %add3A_72 : vector<1250x128xf32>
    %exp3A_76 = math.exp %neg3A_75 : vector<1250x128xf32>
    %add3A_77 = arith.constant 1.000000e+00 : f32
    %add3A_78 = vector.broadcast %add3A_77 : f32 to vector<1250x128xf32>
    %add3A_79 = arith.addf %add3A_78, %exp3A_76 : vector<1250x128xf32>
    %div3A_80 = arith.constant 1.000000e+00 : f32
    %div3A_81 = vector.broadcast %div3A_80 : f32 to vector<1250x128xf32>
    %div3A_82 = arith.divf %div3A_81, %add3A_79 : vector<1250x128xf32>
    %get3A_83 = arith.constant 0 : index
    %get3A_84 = arith.constant 0 : index
    %get3A_85 = vector.load %arg7[%get3A_83, %get3A_84] : memref<128x128xf32, #tpu.memory_space<vmem>>, vector<128x128xf32>
    %dot_general3A_86 = arith.constant dense<0.000000e+00> : vector<1250x128xf32>
    %dot_general3A_87 = tpu.matmul %max3A_23, %get3A_85, %dot_general3A_86 {dimension_numbers = #tpu.dot_dimension_numbers<[1], [0], [0], [1], [0, 0, 1, 1], [], []>, transpose_lhs_hint = false} : vector<1250x128xf32>, vector<128x128xf32>, vector<1250x128xf32> -> vector<1250x128xf32>
    %get3A_88 = arith.constant 0 : index
    %get3A_89 = arith.constant 0 : index
    %get3A_90 = vector.load %arg13[%get3A_88, %get3A_89] : memref<1x128xf32, #tpu.memory_space<vmem>>, vector<1x128xf32>
    %add3A_91 = vector.broadcast %get3A_90 : vector<1x128xf32> to vector<1250x128xf32>
    %add3A_92 = arith.addf %dot_general3A_87, %add3A_91 : vector<1250x128xf32>
    %get3A_93 = arith.constant 0 : index
    %get3A_94 = arith.constant 0 : index
    %get3A_95 = vector.load %arg10[%get3A_93, %get3A_94] : memref<128x128xf32, #tpu.memory_space<vmem>>, vector<128x128xf32>
    %dot_general3A_96 = arith.constant dense<0.000000e+00> : vector<1250x128xf32>
    %dot_general3A_97 = tpu.matmul %get3A_1, %get3A_95, %dot_general3A_96 {dimension_numbers = #tpu.dot_dimension_numbers<[1], [0], [0], [1], [0, 0, 1, 1], [], []>, transpose_lhs_hint = false} : vector<1250x128xf32>, vector<128x128xf32>, vector<1250x128xf32> -> vector<1250x128xf32>
    %get3A_98 = arith.constant 0 : index
    %get3A_99 = arith.constant 0 : index
    %get3A_100 = vector.load %arg16[%get3A_98, %get3A_99] : memref<1x128xf32, #tpu.memory_space<vmem>>, vector<1x128xf32>
    %add3A_101 = vector.broadcast %get3A_100 : vector<1x128xf32> to vector<1250x128xf32>
    %add3A_102 = arith.addf %dot_general3A_97, %add3A_101 : vector<1250x128xf32>
    %mul3A = arith.mulf %div3A_51, %add3A_102 : vector<1250x128xf32>
    %add3A_103 = arith.addf %add3A_92, %mul3A : vector<1250x128xf32>
    %tanh3A = math.tanh %add3A_103 : vector<1250x128xf32>
    %sub3A = arith.constant 1.000000e+00 : f32
    %sub3A_104 = vector.broadcast %sub3A : f32 to vector<1250x128xf32>
    %sub3A_105 = arith.subf %sub3A_104, %div3A_82 : vector<1250x128xf32>
    %mul3A_106 = arith.mulf %sub3A_105, %tanh3A : vector<1250x128xf32>
    %mul3A_107 = arith.mulf %div3A_82, %get3A_1 : vector<1250x128xf32>
    %add3A_108 = arith.addf %mul3A_106, %mul3A_107 : vector<1250x128xf32>
    %swap3A = arith.constant 0 : index
    %swap3A_109 = arith.constant 0 : index
    %swap3A_110 = vector.load %arg17[%swap3A, %swap3A_109] : memref<1250x128xf32, #tpu.memory_space<vmem>>, vector<1250x128xf32>
    tpu.vector_store %arg17[%swap3A, %swap3A_109], %add3A_108 {strides = array<i32>} : memref<1250x128xf32, #tpu.memory_space<vmem>>, vector<1250x128xf32>,
    return
  }
  func.func @transform_0(%arg0: i32) -> (i32, i32, i32) {
    %c0_i32 = arith.constant 0 : i32
    %c0_i32_0 = arith.constant 0 : i32
    %c0_i32_1 = arith.constant 0 : i32
    %c0_i32_2 = arith.constant 0 : i32
    return %c0_i32, %c0_i32_0, %c0_i32_1 : i32, i32, i32
  }
  func.func @transform_1(%arg0: i32) -> (i32, i32) {
    %c0_i32 = arith.constant 0 : i32
    %c0_i32_0 = arith.constant 0 : i32
    %c0_i32_1 = arith.constant 0 : i32
    return %c0_i32, %c0_i32_0 : i32, i32
  }
  func.func @transform_2(%arg0: i32) -> (i32, i32) {
    %c0_i32 = arith.constant 0 : i32
    %c0_i32_0 = arith.constant 0 : i32
    %c0_i32_1 = arith.constant 0 : i32
    return %c0_i32, %c0_i32_0 : i32, i32
  }
  func.func @transform_3(%arg0: i32) -> (i32, i32) {
    %c0_i32 = arith.constant 0 : i32
    %c0_i32_0 = arith.constant 0 : i32
    %c0_i32_1 = arith.constant 0 : i32
    return %c0_i32, %c0_i32_0 : i32, i32
  }
  func.func @transform_4(%arg0: i32) -> (i32, i32) {
    %c0_i32 = arith.constant 0 : i32
    %c0_i32_0 = arith.constant 0 : i32
    %c0_i32_1 = arith.constant 0 : i32
    return %c0_i32, %c0_i32_0 : i32, i32
  }
  func.func @transform_5(%arg0: i32) -> (i32, i32) {
    %c0_i32 = arith.constant 0 : i32
    %c0_i32_0 = arith.constant 0 : i32
    %c0_i32_1 = arith.constant 0 : i32
    return %c0_i32, %c0_i32_0 : i32, i32
  }
  func.func @transform_6(%arg0: i32) -> (i32, i32) {
    %c0_i32 = arith.constant 0 : i32
    %c0_i32_0 = arith.constant 0 : i32
    %c0_i32_1 = arith.constant 0 : i32
    return %c0_i32, %c0_i32_0 : i32, i32
  }
  func.func @transform_7(%arg0: i32) -> (i32, i32) {
    %c0_i32 = arith.constant 0 : i32
    %c0_i32_0 = arith.constant 0 : i32
    %c0_i32_1 = arith.constant 0 : i32
    return %c0_i32, %c0_i32_0 : i32, i32
  }
  func.func @transform_8(%arg0: i32) -> (i32, i32) {
    %c0_i32 = arith.constant 0 : i32
    %c0_i32_0 = arith.constant 0 : i32
    %c0_i32_1 = arith.constant 0 : i32
    return %c0_i32, %c0_i32_0 : i32, i32
  }
  func.func @transform_9(%arg0: i32) -> (i32, i32) {
    %c0_i32 = arith.constant 0 : i32
    %c0_i32_0 = arith.constant 0 : i32
    %c0_i32_1 = arith.constant 0 : i32
    return %c0_i32, %c0_i32_0 : i32, i32
  }
  func.func @transform_10(%arg0: i32) -> (i32, i32) {
    %c0_i32 = arith.constant 0 : i32
    %c0_i32_0 = arith.constant 0 : i32
    %c0_i32_1 = arith.constant 0 : i32
    return %c0_i32, %c0_i32_0 : i32, i32
  }
  func.func @transform_11(%arg0: i32) -> (i32, i32) {
    %c0_i32 = arith.constant 0 : i32
    %c0_i32_0 = arith.constant 0 : i32
    %c0_i32_1 = arith.constant 0 : i32
    return %c0_i32, %c0_i32_0 : i32, i32
  }
  func.func @transform_12(%arg0: i32) -> (i32, i32) {
    %c0_i32 = arith.constant 0 : i32
    %c0_i32_0 = arith.constant 0 : i32
    %c0_i32_1 = arith.constant 0 : i32
    return %c0_i32, %c0_i32_0 : i32, i32
  }
  func.func @transform_13(%arg0: i32) -> (i32, i32) {
    %c0_i32 = arith.constant 0 : i32
    %c0_i32_0 = arith.constant 0 : i32
    %c0_i32_1 = arith.constant 0 : i32
    return %c0_i32, %c0_i32_0 : i32, i32
  }
  func.func @transform_14(%arg0: i32) -> (i32, i32) {
    %c0_i32 = arith.constant 0 : i32
    %c0_i32_0 = arith.constant 0 : i32
    %c0_i32_1 = arith.constant 0 : i32
    return %c0_i32, %c0_i32_0 : i32, i32
  }
  func.func @transform_15(%arg0: i32) -> (i32, i32) {
    %c0_i32 = arith.constant 0 : i32
    %c0_i32_0 = arith.constant 0 : i32
    %c0_i32_1 = arith.constant 0 : i32
    return %c0_i32, %c0_i32_0 : i32, i32
  }
  func.func @transform_16(%arg0: i32) -> (i32, i32) {
    %c0_i32 = arith.constant 0 : i32
    %c0_i32_0 = arith.constant 0 : i32
    %c0_i32_1 = arith.constant 0 : i32
    return %c0_i32, %c0_i32_0 : i32, i32
  }
}

</mosaic_0001>

<sc_bundles>
// kernel: kernel.15.cloned.1.call-start
scs
__scs_entry_jumppad:
0x0: {  	(pc) =	sbr.rel $0x88, $3  }
0x1: {  	(tag) =	ssettag $0x0;
	lr =	simm.s32 $0x1  }
0x2: {  	[smem:$0x3F94] =	sst lr;
	_ =	strace $0xD0000000  }
0x3: {  	_ = 	snop  }
0x4: {  	_ = 	snop  }
0x5: {  	_ = 	snop  }
0x6: {  	_ = 	snop  }
0x7: {  	_ = 	snop  }
__scs_overlays_trampoline_lowered:
0x8: {  	[smem:$0x3FA3] =	sst s0  }
0x9: {  	[smem:$0x3FA4] =	sst s1  }
0xa: {  	[smem:$0x3FA5] =	sst s2  }
0xb: {  	[smem:$0x3FA6] =	sst s3  }
0xc: {  	[smem:$0x3FA7] =	sst s4  }
0xd: {  	[smem:$0x3FA8] =	sst s5  }
0xe: {  	[smem:$0x3FA9] =	sst s6  }
0xf: {  	[smem:$0x3FAA] =	sst s7  }
0x10: {  	[smem:$0x3FAB] =	sst s8  }
0x11: {  	[smem:$0x3FAC] =	sst s9;
	s0 =	simm.s32 @!p0 $0x0  }
0x12: {  	s1 =	sld [smem:$0x3F92];
	s0 =	simm.s32 @p0 $0x1  }
0x13: {  	[smem:$0x3FAD] =	sst s0;
	s0 =	simm.s32 @!p1 $0x0  }
0x14: {  	s2 =	sld [smem:$0x3F91];
	s0 =	simm.s32 @p1 $0x1  }
0x15: {  	[smem:$0x3FAE] =	sst s0;
	s0 =	simm.s32 @!p2 $0x0  }
0x16: {  	s3 =	sld [smem:$0x3FDB];
	s0 =	simm.s32 @p2 $0x1  }
0x17: {  	s4 =	simm.s32 $0x1BF5;
	[smem:$0x3FB0] =	sst s0  }
0x18: {  	s0 =	sld [smem:$0x3F93];
	_ =	swait.ge [sflag:s4], $0x0  }
0x19: {  	s7 =	sld [smem:$0x3F94]  }
0x1a: {  	s8 =	sadd.s32 $0xFFFFE003, lr  }
0x1b: {  	s9 =	sadd.s32 $0xFFFFFEF7, lr;
	s5 =	simm.s32 $0xFFFFFFFF;
	p2 =	slt.u32 s8, $0xFFFFF086  }
0x1c: {  	p1 =	slt.u32 s9, $0xF7A;
	s5 =	simm.s32 @!p2 $0x0  }
0x1d: {  	s5 =	simm.s32 @p1 $0x1;
	p0 =	seq.s32 s7, s2  }
0x1e: {  	s7 =	smul.u32 @!p0 $0xF7A, s2;
	p2 =	seq.s32 @!p0 s5, $0x0  }
0x1f: {  	s9 =	smul.u32 $0xF7A, s1;
	s8 =	simm.s32 @!p0 $0x1BF5;
	p2 =	por !p2, p0  }
0x20: {  	[sflag:s8] =	ssyncset.s32 @!p0 $0xFFFFF086;
	s6 =	sadd.s32 @!p0 s3, s7;
	s7 =	simm.s32 @!p0 $0x108  }
0x21: {  	s3 =	sadd.s32 s3, s9;
	s6 =	sadd.s32 @!p0 $0x88, s6;
	s7 =	simm.s32 @p2 $0x1082  }
0x22: {  	[simem:s7], [sflag:s8] =	dma.local @!p0 [hbm:s6], $0xF7A  }
0x23: {  	s9 =	sor.u32 $0xD0000000, s2;
	s6 =	simm.s32 $0x108;
	_ =	swait.ge @!p0 [sflag:s8], $0x0  }
0x24: {  	s3 =	sadd.s32 $0x88, s3;
	s6 =	simm.s32 @!p1 $0x1082;
	[sflag:s4] =	ssyncset.s32 $0xFFFFF086  }
0x25: {  	[simem:s6], [sflag:s4] =	dma.local [hbm:s3], $0xF7A  }
0x26: {  	[smem:$0x3F94] =	sst s1;
	(tag) =	ssettag s2;
	_ =	strace s9  }
0x27: {  	s1 =	sld [smem:$0x3FA4]  }
0x28: {  	s2 =	sld [smem:$0x3FA5]  }
0x29: {  	s4 =	sld [smem:$0x3FA7]  }
0x2a: {  	p0 =	seq.s32 s5, $0x0;
	s5 =	sld [smem:$0x3FA8]  }
0x2b: {  	s6 =	sld [smem:$0x3FA9]  }
0x2c: {  	s7 =	sld [smem:$0x3FAA]  }
0x2d: {  	s3 =	simm.s32 $0x108;
	s8 =	sld [smem:$0x3FAB]  }
0x2e: {  	s3 =	simm.s32 @!p0 $0x1082;
	s9 =	sld [smem:$0x3FAC]  }
0x2f: {  	lr =	sadd.s32 s0, s3;
	s0 =	sld [smem:$0x3FA3]  }
0x30: {  	s3 =	sld [smem:$0x3FA6]  }
0x31: {  	[smem:$0x3FAF] =	sst s10  }
0x32: {  	s10 =	sld [smem:$0x3FAD];
	_ =	sdelay $0x3  }
0x33: {  	p0 =	seq.s32 s10, $0x1;
	s10 =	sld [smem:$0x3FAF];
	_ =	sdelay $0x3  }
0x34: {  	[smem:$0x3FAF] =	sst s10  }
0x35: {  	s10 =	sld [smem:$0x3FAE];
	_ =	sdelay $0x3  }
0x36: {  	p1 =	seq.s32 s10, $0x1;
	s10 =	sld [smem:$0x3FAF];
	_ =	sdelay $0x3  }
0x37: {  	[smem:$0x3FAF] =	sst s10  }
0x38: {  	s10 =	sld [smem:$0x3FB0]  }
0x39: {  	_ = 	snop;
	(pc) =	sbr.ind lr, $3  }
0x3a: {  	_ = 	snop  }
0x3b: {  	_ = 	snop  }
0x3c: {  	p2 =	seq.s32 s10, $0x1;
	s10 =	sld [smem:$0x3FAF]  }
0x3d: {  	_ =	shalt  }
0x3e: {  	_ =	shalt  }
0x3f: {  	_ =	shalt  }
0x40: {  	_ =	shalt  }
0x41: {  	_ =	shalt  }
0x42: {  	_ =	shalt  }
0x43: {  	_ =	shalt  }
0x44: {  	_ =	shalt  }
0x45: {  	_ =	shalt  }
0x46: {  	_ =	shalt  }
0x47: {  	_ =	shalt  }
0x48: {  	_ =	shalt  }
0x49: {  	_ =	shalt  }
0x4a: {  	_ =	shalt  }
0x4b: {  	_ =	shalt  }
0x4c: {  	_ =	shalt  }
0x4d: {  	_ =	shalt  }
0x4e: {  	_ =	shalt  }
0x4f: {  	_ =	shalt  }
0x50: {  	_ =	shalt  }
0x51: {  	_ =	shalt  }
0x52: {  	_ =	shalt  }
0x53: {  	_ =	shalt  }
0x54: {  	_ =	shalt  }
0x55: {  	_ =	shalt  }
0x56: {  	_ =	shalt  }
0x57: {  	_ =	shalt  }
0x58: {  	_ =	shalt  }
0x59: {  	_ =	shalt  }
0x5a: {  	_ =	shalt  }
0x5b: {  	_ =	shalt  }
0x5c: {  	_ =	shalt  }
0x5d: {  	_ =	shalt  }
0x5e: {  	_ =	shalt  }
0x5f: {  	_ =	shalt  }
0x60: {  	_ =	shalt  }
0x61: {  	_ =	shalt  }
0x62: {  	_ =	shalt  }
0x63: {  	_ =	shalt  }
0x64: {  	_ =	shalt  }
0x65: {  	_ =	shalt  }
0x66: {  	_ =	shalt  }
0x67: {  	_ =	shalt  }
0x68: {  	_ =	shalt  }
0x69: {  	_ =	shalt  }
0x6a: {  	_ =	shalt  }
0x6b: {  	_ =	shalt  }
0x6c: {  	_ =	shalt  }
0x6d: {  	_ =	shalt  }
0x6e: {  	_ =	shalt  }
0x6f: {  	_ =	shalt  }
0x70: {  	_ =	shalt  }
0x71: {  	_ =	shalt  }
0x72: {  	_ =	shalt  }
0x73: {  	_ =	shalt  }
0x74: {  	_ =	shalt  }
0x75: {  	_ =	shalt  }
0x76: {  	_ =	shalt  }
0x77: {  	_ =	shalt  }
0x78: {  	_ =	shalt  }
0x79: {  	_ =	shalt  }
0x7a: {  	_ =	shalt  }
0x7b: {  	_ =	shalt  }
0x7c: {  	_ =	shalt  }
0x7d: {  	_ =	shalt  }
0x7e: {  	_ =	shalt  }
0x7f: {  	_ =	shalt  }
0x80: {  	_ =	shalt  }
0x81: {  	_ =	shalt  }
0x82: {  	_ =	shalt  }
0x83: {  	_ =	shalt  }
0x84: {  	_ =	shalt  }
0x85: {  	_ =	shalt  }
0x86: {  	_ =	shalt  }
0x87: {  	_ =	shalt  }
.Lfunc_end0:
.L_simem_size_0:
called_computation_lowered:
.L_overlay_start_0:
0x88: {  	s2 =	sld [smem:$0x3FD9]  }
0x89: {  	s3 =	sld [smem:$0x3FFE];
	_ =	sdelay $0x1  }
0x8a: {  	s1 =	srdreg.scid  }
0x8b: {  	s0 =	sand.u32 $0x1, s1  }
0x8c: {  	s17 =	sshll.u32 s0, $0xA;
	s2 =	sadd.s32 s3, s2  }
0x8d: {  	s2 =	sadd.s32 s2, s17  }
0x8e: {  	[smem:$0x3FBB] =	sst s2  }
0x8f: {  	_ = 	snop  }
0x90: {  	s2 =	sld [smem:$0x3FD0];
	(tm) =	ssettm $0x1  }
0x91: {  	s18 =	sld [smem:$0x3FFB];
	_ =	sdelay $0x3  }
0x92: {  	_ =	strace s18  }
0x93: {  	s3 =	sld [smem:$0x3FFC];
	_ =	sdelay $0x3  }
0x94: {  	_ =	strace s3  }
0x95: {  	s3 =	sld [smem:$0x3FFD];
	_ =	sdelay $0x3  }
0x96: {  	_ =	strace s3  }
0x97: {  	_ =	strace $0x8FFFFFFF  }
0x98: {  	s19 =	sld [smem:$0x3FDB];
	_ =	sdelay $0x1  }
0x99: {  	s4 =	simm.s32 $_scs_section_size  }
0x9a: {  	s5 =	simm.s32 $_size__tile_overlayer_lowered;
	s6 =	simm.s32 $_tile_overlayer_lowered  }
0x9b: {  	s22 =	simm.s32 $0x1BFF;
	s21 =	sshll.u32 s6, $0x1;
	s3 =	sadd.s32 s4, s19  }
0x9c: {  	s7 =	simm.s32 $0x0;
	s20 =	sshll.u32 s5, $0x1;
	s5 =	sadd.s32 s21, s3  }
0x9d: {  	[timem:s7], [sflag:s22] =	dma.local [hbm:s5], s20  }
0x9e: {  	_ =	swait.ge [sflag:s22], s20  }
0x9f: {  	s4 =	ssub.s32 $0x0, s20;
	[sflag:s22] =	ssyncset.done $0x0  }
0xa0: {  	[sflag:s22] =	ssyncadd.s32 s4;
	_ =	sdelay $0x1  }
0xa1: {  	s23 =	simm.s32 $0x1B8B  }
0xa2: {  	_ =	swait.ge [sflag:s23], $0x1  }
0xa3: {  	[sflag:s23] =	ssyncset.done $0x0  }
0xa4: {  	s25 =	simm.s32 $0x1B8E;
	s24 =	sld [smem:$0x3FFE];
	[sflag:s23] =	ssyncadd.s32 $0xFFFFFFFF  }
0xa5: {  	s26 =	simm.s32 $execute0_lowered;
	[smem:$0x3FD2] =	sst s25  }
0xa6: {  	s5 =	sshll.u32 s26, $0x1;
	_ =	strace $0x80000046;
	[dreg:$0x1] =	wrdreg $0xFFFFFFFF  }
0xa7: {  	s28 =	simm.s32 $_size_execute0_lowered;
	s3 =	sadd.s32 s3, s5;
	[dreg:$0x0] =	wrdreg $0x0  }
0xa8: {  	s5 =	sshll.u32 s28, $0x1;
	[dreg:$0x2] =	wrdreg s3  }
0xa9: {  	[dreg:$0x3] =	wrdreg s5  }
0xaa: {  	[dreg:$0x4] =	wrdreg $0xC0  }
0xab: {  	_ =	task [dreg:s7], $0x5FFFF  }
0xac: {  	[dreg:$0x1] =	wrdreg $0xFFFFFFFF  }
0xad: {  	[dreg:$0x0] =	wrdreg $0x60  }
0xae: {  	[dreg:$0x2] =	wrdreg s2  }
0xaf: {  	[dreg:$0x3] =	wrdreg s24  }
0xb0: {  	[dreg:$0x4] =	wrdreg $0x9  }
0xb1: {  	_ =	task.clear_ibuf [dreg:s7], $0x5FFFF;
	_ =	strace $0x90000046  }
0xb2: {  	s29 =	simm.s32 $0x9;
	_ =	strace $0x80000048  }
0xb3: {  	_ =	swait.ge [sflag:s29], $0x1  }
0xb4: {  	[sflag:s29] =	ssyncadd.s32 $0xFFFFFFFF  }
0xb5: {  	_ =	strace $0x90000048  }
0xb6: {  	_ =	sfence  }
0xb7: {  	s30 =	sld [smem:$0x0];
	_ =	sdelay $0x2  }
0xb8: {  	s31 =	sshll.u32 s1, $0xD;
	s1 =	sshrl.u32 s1, $0x2  }
0xb9: {  	s3 =	sand.u32 $0x4000, s31;
	s1 =	sadd.s32 s1, s30  }
0xba: {  	s0 =	sor.u32 s3, s0;
	s1 =	sshll.u32 s1, $0x11  }
0xbb: {  	s0 =	sor.u32 s1, s0  }
0xbc: {  	s0 =	sadd.s32 $0x8F2B, s0  }
0xbd: {  	[sflag:s0] =	ssyncadd.remote.s32 $0x1  }
0xbe: {  	_ =	sfence.sel $0xFFFF  }
0xbf: {  	[dreg:$0x0] =	wrdreg $0xFFFFFFFF;
	(pc) =	sbr.abs _section_cstart, $3  }
0xc0: {  	[dreg:$0x1] =	wrdreg $0xFFFFFFFF  }
0xc1: {  	_ =	task.clear_ibuf [dreg:s7], $0x2FFFF;
	_ =	strace $0x9FFFFFFF  }
0xc2: {  	(tm) =	ssettm $0x7FFFFFFF  }
0xc3: {  	_ =	shalt  }
tec
execute0_lowered:
.L_overlay_start_1:
0x0: {  	(tag) =	ssettag $0x1  }
0x1: {  	s0 =	srdreg.scid;
	s2 =	rddreg [dreg:$0x0]  }
0x2: {  	s5 =	rddreg [dreg:$0x1];
	s3 =	simm.s32 $0x0;
	s4 =	sand.u32 $0x1, s0  }
0x3: {  	s8 =	simm.s32 $0x7D;
	s0 =	stileid.u32;
	s1 =	sshll.u32 s4, $0x4  }
0x4: {  	s9 =	simm.s32 $0x1;
	s10 =	simm.s32 $0x1400;
	s6 =	sor.u32 s0, s1  }
0x5: {  	s11 =	simm.s32 $0x0;
	[smem:$0x7FF] =	sst s3;
	s7 =	smul.u32 $0x280, s6  }
0x6: {  	s4 =	ssub.s32 $0x2, s4;
	s1 =	rddreg [dreg:$0x2];
	s6 =	smul.u32 $0x2710, s6  }
0x7: {  	_ =	strace $0x80000047;
	s31 =	sshrl.u32 s4, $0x1;
	s7 =	sadd.s32 s7, s5  }
0x8: {  	s5 =	sadd.s32 s6, s5;
	s6 =	ssub.s32 s4, s31;
	s4 =	sadd.s32 $0x5400, s7  }
0x9: {  	s5 =	sadd.s32 $0xA400, s5;
	s6 =	smax.u32 s6, $0x1;
	s7 =	simm.s32 $0x2  }
.LBB2_1:
0xa: {  	[tilespmem:s3], [sflag:$0x2] =	stream.linear.gather [hbm4b:s4+s3], $0x1400, $0x38;
	[tilespmem:$0x14C80] =	vst v63  }
0xb: {  	_ =	swait.ge [sflag:s7], $0x1400  }
0xc: {  	[sflag:s7] =	ssyncset.done $0x0  }
0xd: {  	s12 =	simm.s32 $0x1400;
	s13 =	simm.s32 $0x0;
	[sflag:s7] =	ssyncadd.s32 $0xFFFFEC00  }
.LBB2_2:
0xe: {  	p0 =	sne.s32 s13, $0x4E00  }
.Ltmp0:
0xf: {  	_ = 	snop;
	(pc) =	sbr.rel @p0 .LBB2_2-.Ltmp0, $4  }
0x10: {  	_ = 	snop  }
0x11: {  	s14 =	sshra.s32 s13, $0x2  }
0x12: {  	[tilespmem:s12], [sflag:$0x1] =	stream.indirect.gather [hbm4b:s2+s8], $0x10, s14, s8, $0xb8;
	[tilespmem:$0x14C80] =	vst v63  }
0x13: {  	s13 =	sadd.s32 $0x200, s13;
	s12 =	sadd.s32 $0x7D0, s12  }
0x14: {  	_ =	swait.ge [sflag:s9], $0x7D0  }
0x15: {  	s12 =	simm.s32 $0x27;
	[sflag:s9] =	ssyncset.done $0x0  }
.LBB2_4:
0x16: {  	p0 =	sne.s32 s12, $0x1;
	s12 =	sadd.s32 $0xFFFFFFFF, s12;
	[sflag:s9] =	ssyncadd.s32 $0xFFFFF830  }
.Ltmp1:
0x17: {  	(pc) =	sbr.rel @p0 .LBB2_4-.Ltmp1, $3  }
0x18: {  	_ =	sdelay $0x1  }
0x19: {  	_ =	swait.ge [sflag:s9], $0x7D0  }
0x1a: {  	[sflag:s9] =	ssyncset.done $0x0  }
0x1b: {  	s11 =	sadd.s32 $0x1, s11  }
0x1c: {  	p0 =	sne.s32 s11, s6  }
.Ltmp2:
0x1d: {  	[sflag:s9] =	ssyncadd.s32 $0xFFFFF830;
	(pc) =	sbr.rel @p0 .LBB2_1-.Ltmp2, $4  }
0x1e: {  	[hbm4b:s5+s3] =	stream.linear.scatter [tilespmem:s10], [sflag:$0x2], $0x13880, $0x38;
	[tilespmem:$0x14C80] =	vst v63  }
0x1f: {  	_ =	swait.ge [sflag:s7], $0x13880  }
0x20: {  	[sflag:s7] =	ssyncset.done $0x0  }
0x21: {  	[sflag:s7] =	ssyncadd.s32 $0xFFFEC780  }
0x22: {  	_ =	sfence.sel $0x180000  }
0x23: {  	[bflag:$0x0] =	sbarrier.arrive $0xFFFF  }
0x24: {  	p0 =	sne.s32 s0, $0x0;
	_ =	strace $0x90000047  }
0x25: {  	s0 =	sadd.s32 @!p0 $0x100000, s1;
	[bflag:$0x2] =	sbarrier.arrive $0xFFFF  }
0x26: {  	[sflag:s0] =	ssyncadd.tile.s32 @!p0 $0x1;
	_ =	shalt  }
.Lfunc_end2:
_tile_overlayer_lowered:
.L_overlay_start_2:
0x27: {  	(tag) =	ssettag $0x2  }
0x28: {  	s0 =	rddreg [dreg:$0x0];
	s2 =	stileid.u32  }
0x29: {  	s1 =	rddreg [dreg:$0x1];
	p0 =	sne.s32 s2, $0x0  }
0x2a: {  	s3 =	rddreg [dreg:$0x2];
	[bflag:$0x3] =	sbarrier.arrive $0xFFFF;
	s2 =	simm.s32 @!p0 $0x1C02  }
0x2b: {  	[timem:s3], [sflag:s2] =	dma.local @!p0 [hbm:s0], s1  }
0x2c: {  	s0 =	simm.s32 @!p0 $0x2  }
0x2d: {  	_ =	swait.ge @!p0 [sflag:s0], s1  }
0x2e: {  	s1 =	ssub.s32 @!p0 $0x0, s1;
	[sflag:s0] =	ssyncset.done @!p0 $0x0  }
0x2f: {  	[sflag:s0] =	ssyncadd.s32 @!p0 s1  }
0x30: {  	[bflag:$0x3] =	sbarrier.arrive $0xFFFF  }
0x31: {  	_ =	shalt  }

// kernel: kernel.18.cloned.1.call-start
scs
__scs_entry_jumppad:
0x0: {  	(pc) =	sbr.rel $0x88, $3  }
0x1: {  	(tag) =	ssettag $0x0;
	lr =	simm.s32 $0x1  }
0x2: {  	[smem:$0x3F94] =	sst lr;
	_ =	strace $0xD0000000  }
0x3: {  	_ = 	snop  }
0x4: {  	_ = 	snop  }
0x5: {  	_ = 	snop  }
0x6: {  	_ = 	snop  }
0x7: {  	_ = 	snop  }
__scs_overlays_trampoline_lowered:
0x8: {  	[smem:$0x3FA3] =	sst s0  }
0x9: {  	[smem:$0x3FA4] =	sst s1  }
0xa: {  	[smem:$0x3FA5] =	sst s2  }
0xb: {  	[smem:$0x3FA6] =	sst s3  }
0xc: {  	[smem:$0x3FA7] =	sst s4  }
0xd: {  	[smem:$0x3FA8] =	sst s5  }
0xe: {  	[smem:$0x3FA9] =	sst s6  }
0xf: {  	[smem:$0x3FAA] =	sst s7  }
0x10: {  	[smem:$0x3FAB] =	sst s8  }
0x11: {  	[smem:$0x3FAC] =	sst s9;
	s0 =	simm.s32 @!p0 $0x0  }
0x12: {  	s1 =	sld [smem:$0x3F92];
	s0 =	simm.s32 @p0 $0x1  }
0x13: {  	[smem:$0x3FAD] =	sst s0;
	s0 =	simm.s32 @!p1 $0x0  }
0x14: {  	s2 =	sld [smem:$0x3F91];
	s0 =	simm.s32 @p1 $0x1  }
0x15: {  	[smem:$0x3FAE] =	sst s0;
	s0 =	simm.s32 @!p2 $0x0  }
0x16: {  	s3 =	sld [smem:$0x3FDB];
	s0 =	simm.s32 @p2 $0x1  }
0x17: {  	s4 =	simm.s32 $0x1BF5;
	[smem:$0x3FB0] =	sst s0  }
0x18: {  	s0 =	sld [smem:$0x3F93];
	_ =	swait.ge [sflag:s4], $0x0  }
0x19: {  	s7 =	sld [smem:$0x3F94]  }
0x1a: {  	s8 =	sadd.s32 $0xFFFFE003, lr  }
0x1b: {  	s9 =	sadd.s32 $0xFFFFFEF7, lr;
	s5 =	simm.s32 $0xFFFFFFFF;
	p2 =	slt.u32 s8, $0xFFFFF086  }
0x1c: {  	p1 =	slt.u32 s9, $0xF7A;
	s5 =	simm.s32 @!p2 $0x0  }
0x1d: {  	s5 =	simm.s32 @p1 $0x1;
	p0 =	seq.s32 s7, s2  }
0x1e: {  	s7 =	smul.u32 @!p0 $0xF7A, s2;
	p2 =	seq.s32 @!p0 s5, $0x0  }
0x1f: {  	s9 =	smul.u32 $0xF7A, s1;
	s8 =	simm.s32 @!p0 $0x1BF5;
	p2 =	por !p2, p0  }
0x20: {  	[sflag:s8] =	ssyncset.s32 @!p0 $0xFFFFF086;
	s6 =	sadd.s32 @!p0 s3, s7;
	s7 =	simm.s32 @!p0 $0x108  }
0x21: {  	s3 =	sadd.s32 s3, s9;
	s6 =	sadd.s32 @!p0 $0x88, s6;
	s7 =	simm.s32 @p2 $0x1082  }
0x22: {  	[simem:s7], [sflag:s8] =	dma.local @!p0 [hbm:s6], $0xF7A  }
0x23: {  	s9 =	sor.u32 $0xD0000000, s2;
	s6 =	simm.s32 $0x108;
	_ =	swait.ge @!p0 [sflag:s8], $0x0  }
0x24: {  	s3 =	sadd.s32 $0x88, s3;
	s6 =	simm.s32 @!p1 $0x1082;
	[sflag:s4] =	ssyncset.s32 $0xFFFFF086  }
0x25: {  	[simem:s6], [sflag:s4] =	dma.local [hbm:s3], $0xF7A  }
0x26: {  	[smem:$0x3F94] =	sst s1;
	(tag) =	ssettag s2;
	_ =	strace s9  }
0x27: {  	s1 =	sld [smem:$0x3FA4]  }
0x28: {  	s2 =	sld [smem:$0x3FA5]  }
0x29: {  	s4 =	sld [smem:$0x3FA7]  }
0x2a: {  	p0 =	seq.s32 s5, $0x0;
	s5 =	sld [smem:$0x3FA8]  }
0x2b: {  	s6 =	sld [smem:$0x3FA9]  }
0x2c: {  	s7 =	sld [smem:$0x3FAA]  }
0x2d: {  	s3 =	simm.s32 $0x108;
	s8 =	sld [smem:$0x3FAB]  }
0x2e: {  	s3 =	simm.s32 @!p0 $0x1082;
	s9 =	sld [smem:$0x3FAC]  }
0x2f: {  	lr =	sadd.s32 s0, s3;
	s0 =	sld [smem:$0x3FA3]  }
0x30: {  	s3 =	sld [smem:$0x3FA6]  }
0x31: {  	[smem:$0x3FAF] =	sst s10  }
0x32: {  	s10 =	sld [smem:$0x3FAD];
	_ =	sdelay $0x3  }
0x33: {  	p0 =	seq.s32 s10, $0x1;
	s10 =	sld [smem:$0x3FAF];
	_ =	sdelay $0x3  }
0x34: {  	[smem:$0x3FAF] =	sst s10  }
0x35: {  	s10 =	sld [smem:$0x3FAE];
	_ =	sdelay $0x3  }
0x36: {  	p1 =	seq.s32 s10, $0x1;
	s10 =	sld [smem:$0x3FAF];
	_ =	sdelay $0x3  }
0x37: {  	[smem:$0x3FAF] =	sst s10  }
0x38: {  	s10 =	sld [smem:$0x3FB0]  }
0x39: {  	_ = 	snop;
	(pc) =	sbr.ind lr, $3  }
0x3a: {  	_ = 	snop  }
0x3b: {  	_ = 	snop  }
0x3c: {  	p2 =	seq.s32 s10, $0x1;
	s10 =	sld [smem:$0x3FAF]  }
0x3d: {  	_ =	shalt  }
0x3e: {  	_ =	shalt  }
0x3f: {  	_ =	shalt  }
0x40: {  	_ =	shalt  }
0x41: {  	_ =	shalt  }
0x42: {  	_ =	shalt  }
0x43: {  	_ =	shalt  }
0x44: {  	_ =	shalt  }
0x45: {  	_ =	shalt  }
0x46: {  	_ =	shalt  }
0x47: {  	_ =	shalt  }
0x48: {  	_ =	shalt  }
0x49: {  	_ =	shalt  }
0x4a: {  	_ =	shalt  }
0x4b: {  	_ =	shalt  }
0x4c: {  	_ =	shalt  }
0x4d: {  	_ =	shalt  }
0x4e: {  	_ =	shalt  }
0x4f: {  	_ =	shalt  }
0x50: {  	_ =	shalt  }
0x51: {  	_ =	shalt  }
0x52: {  	_ =	shalt  }
0x53: {  	_ =	shalt  }
0x54: {  	_ =	shalt  }
0x55: {  	_ =	shalt  }
0x56: {  	_ =	shalt  }
0x57: {  	_ =	shalt  }
0x58: {  	_ =	shalt  }
0x59: {  	_ =	shalt  }
0x5a: {  	_ =	shalt  }
0x5b: {  	_ =	shalt  }
0x5c: {  	_ =	shalt  }
0x5d: {  	_ =	shalt  }
0x5e: {  	_ =	shalt  }
0x5f: {  	_ =	shalt  }
0x60: {  	_ =	shalt  }
0x61: {  	_ =	shalt  }
0x62: {  	_ =	shalt  }
0x63: {  	_ =	shalt  }
0x64: {  	_ =	shalt  }
0x65: {  	_ =	shalt  }
0x66: {  	_ =	shalt  }
0x67: {  	_ =	shalt  }
0x68: {  	_ =	shalt  }
0x69: {  	_ =	shalt  }
0x6a: {  	_ =	shalt  }
0x6b: {  	_ =	shalt  }
0x6c: {  	_ =	shalt  }
0x6d: {  	_ =	shalt  }
0x6e: {  	_ =	shalt  }
0x6f: {  	_ =	shalt  }
0x70: {  	_ =	shalt  }
0x71: {  	_ =	shalt  }
0x72: {  	_ =	shalt  }
0x73: {  	_ =	shalt  }
0x74: {  	_ =	shalt  }
0x75: {  	_ =	shalt  }
0x76: {  	_ =	shalt  }
0x77: {  	_ =	shalt  }
0x78: {  	_ =	shalt  }
0x79: {  	_ =	shalt  }
0x7a: {  	_ =	shalt  }
0x7b: {  	_ =	shalt  }
0x7c: {  	_ =	shalt  }
0x7d: {  	_ =	shalt  }
0x7e: {  	_ =	shalt  }
0x7f: {  	_ =	shalt  }
0x80: {  	_ =	shalt  }
0x81: {  	_ =	shalt  }
0x82: {  	_ =	shalt  }
0x83: {  	_ =	shalt  }
0x84: {  	_ =	shalt  }
0x85: {  	_ =	shalt  }
0x86: {  	_ =	shalt  }
0x87: {  	_ =	shalt  }
.Lfunc_end0:
.L_simem_size_0:
called_computation.1_lowered:
.L_overlay_start_0:
0x88: {  	s2 =	sld [smem:$0x3FD9]  }
0x89: {  	s3 =	sld [smem:$0x3FFE];
	_ =	sdelay $0x1  }
0x8a: {  	s1 =	srdreg.scid  }
0x8b: {  	s0 =	sand.u32 $0x1, s1  }
0x8c: {  	s16 =	sshll.u32 s0, $0xA;
	s2 =	sadd.s32 s3, s2  }
0x8d: {  	s2 =	sadd.s32 s2, s16  }
0x8e: {  	[smem:$0x3FBB] =	sst s2  }
0x8f: {  	_ = 	snop  }
0x90: {  	(tm) =	ssettm $0x1  }
0x91: {  	s17 =	sld [smem:$0x3FFB];
	_ =	sdelay $0x3  }
0x92: {  	_ =	strace s17  }
0x93: {  	s2 =	sld [smem:$0x3FFC];
	_ =	sdelay $0x3  }
0x94: {  	_ =	strace s2  }
0x95: {  	s2 =	sld [smem:$0x3FFD];
	_ =	sdelay $0x3  }
0x96: {  	_ =	strace s2  }
0x97: {  	_ =	strace $0x8FFFFFFF  }
0x98: {  	s18 =	sld [smem:$0x3FDB];
	_ =	sdelay $0x1  }
0x99: {  	s19 =	simm.s32 $_scs_section_size  }
0x9a: {  	s4 =	simm.s32 $_size__tile_overlayer_lowered;
	s5 =	simm.s32 $_tile_overlayer_lowered  }
0x9b: {  	s22 =	simm.s32 $0x1BFF;
	s21 =	sshll.u32 s5, $0x1;
	s2 =	sadd.s32 s19, s18  }
0x9c: {  	s6 =	simm.s32 $0x0;
	s20 =	sshll.u32 s4, $0x1;
	s4 =	sadd.s32 s21, s2  }
0x9d: {  	[timem:s6], [sflag:s22] =	dma.local [hbm:s4], s20  }
0x9e: {  	_ =	swait.ge [sflag:s22], s20  }
0x9f: {  	s3 =	ssub.s32 $0x0, s20;
	[sflag:s22] =	ssyncset.done $0x0  }
0xa0: {  	[sflag:s22] =	ssyncadd.s32 s3;
	_ =	sdelay $0x1  }
0xa1: {  	s23 =	simm.s32 $0x1B8B  }
0xa2: {  	_ =	swait.ge [sflag:s23], $0x1  }
0xa3: {  	[sflag:s23] =	ssyncset.done $0x0  }
0xa4: {  	s25 =	simm.s32 $0x1B8E;
	s24 =	sld [smem:$0x3FFE];
	[sflag:s23] =	ssyncadd.s32 $0xFFFFFFFF  }
0xa5: {  	s26 =	simm.s32 $execute0_lowered;
	[smem:$0x3FD2] =	sst s25  }
0xa6: {  	s4 =	sshll.u32 s26, $0x1;
	_ =	strace $0x80000049;
	[dreg:$0x1] =	wrdreg $0xFFFFFFFF  }
0xa7: {  	s28 =	simm.s32 $_size_execute0_lowered;
	s2 =	sadd.s32 s2, s4;
	[dreg:$0x0] =	wrdreg $0x0  }
0xa8: {  	s4 =	sshll.u32 s28, $0x1;
	[dreg:$0x2] =	wrdreg s2  }
0xa9: {  	[dreg:$0x3] =	wrdreg s4  }
0xaa: {  	[dreg:$0x4] =	wrdreg $0xC0  }
0xab: {  	_ =	task [dreg:s6], $0x5FFFF  }
0xac: {  	[dreg:$0x1] =	wrdreg $0xFFFFFFFF  }
0xad: {  	[dreg:$0x0] =	wrdreg $0x60  }
0xae: {  	[dreg:$0x2] =	wrdreg s24  }
0xaf: {  	[dreg:$0x3] =	wrdreg $0x14C800  }
0xb0: {  	[dreg:$0x4] =	wrdreg $0x9  }
0xb1: {  	_ =	task.clear_ibuf [dreg:s6], $0x5FFFF;
	_ =	strace $0x90000049  }
0xb2: {  	s29 =	simm.s32 $0x9;
	_ =	strace $0x8000004B  }
0xb3: {  	_ =	swait.ge [sflag:s29], $0x1  }
0xb4: {  	[sflag:s29] =	ssyncadd.s32 $0xFFFFFFFF  }
0xb5: {  	_ =	strace $0x9000004B  }
0xb6: {  	_ =	sfence  }
0xb7: {  	s30 =	sld [smem:$0x0];
	_ =	sdelay $0x2  }
0xb8: {  	s31 =	sshll.u32 s1, $0xD;
	s1 =	sshrl.u32 s1, $0x2  }
0xb9: {  	s3 =	sand.u32 $0x4000, s31;
	s1 =	sadd.s32 s1, s30  }
0xba: {  	s0 =	sor.u32 s3, s0;
	s1 =	sshll.u32 s1, $0x11  }
0xbb: {  	s0 =	sor.u32 s1, s0  }
0xbc: {  	s0 =	sadd.s32 $0x8F2B, s0  }
0xbd: {  	[sflag:s0] =	ssyncadd.remote.s32 $0x1  }
0xbe: {  	_ =	sfence.sel $0xFFFF  }
0xbf: {  	[dreg:$0x0] =	wrdreg $0xFFFFFFFF;
	(pc) =	sbr.abs _section_cstart, $3  }
0xc0: {  	[dreg:$0x1] =	wrdreg $0xFFFFFFFF  }
0xc1: {  	_ =	task.clear_ibuf [dreg:s6], $0x2FFFF;
	_ =	strace $0x9FFFFFFF  }
0xc2: {  	(tm) =	ssettm $0x7FFFFFFF  }
0xc3: {  	_ =	shalt  }
tec
execute0_lowered:
.L_overlay_start_1:
0x0: {  	(tag) =	ssettag $0x1  }
0x1: {  	s0 =	srdreg.scid;
	s5 =	rddreg [dreg:$0x0]  }
0x2: {  	s2 =	rddreg [dreg:$0x1];
	s3 =	simm.s32 $0x0;
	s13 =	simm.s32 $0x1  }
0x3: {  	s14 =	simm.s32 $0x0;
	s4 =	sand.u32 $0x1, s0;
	s0 =	stileid.u32  }
0x4: {  	[smem:$0x7FF] =	sst s3;
	s1 =	sshll.u32 s4, $0x4;
	s8 =	smul.u32 $0x2710, s0  }
0x5: {  	s9 =	smul.u32 $0x27100, s4;
	s4 =	ssub.s32 $0x2, s4;
	s1 =	sor.u32 s0, s1  }
0x6: {  	s31 =	sshll.u32 s0, $0x6;
	s11 =	sshrl.u32 s4, $0x1;
	s6 =	smul.u32 $0x2710, s1  }
0x7: {  	s7 =	smul.u32 $0x280, s1;
	s1 =	rddreg [dreg:$0x2];
	_ =	strace $0x8000004A  }
0x8: {  	s30 =	sshrl.u32 s8, $0x3;
	s9 =	sadd.s32 s8, s9;
	s11 =	ssub.s32 s4, s11  }
0x9: {  	s12 =	sadd.s32 s8, s2;
	s9 =	sshrl.u32 s9, $0x3;
	s10 =	sadd.s32 s6, s5  }
0xa: {  	s29 =	sadd.s32 s7, s5;
	s7 =	sadd.s32 s30, s5;
	s9 =	sadd.s32 s9, s5  }
0xb: {  	s5 =	sor.u32 $0x1C02, s31;
	s4 =	sadd.s32 $0x5D600, s7;
	s6 =	sadd.s32 $0x58600, s29  }
0xc: {  	s7 =	sadd.s32 $0xA400, s10;
	s8 =	sadd.s32 $0x62600, s9;
	s9 =	smax.u32 s11, $0x1  }
0xd: {  	s10 =	sshrl.u32 s12, $0x3;
	s11 =	simm.s32 $0x2;
	s12 =	simm.s32 $0x7D  }
.LBB2_1:
0xe: {  	[spmem:s10], [sflag:s5] =	dma.local [hbm:s4], $0x4E2  }
0xf: {  	_ =	swait.ge [sflag:s11], $0x4E2  }
0x10: {  	[sflag:s11] =	ssyncset.done $0x0  }
0x11: {  	[sflag:s11] =	ssyncadd.s32 $0xFFFFFB1E  }
0x12: {  	[tilespmem:s3], [sflag:$0x2] =	stream.linear.gather [hbm4b:s6+s3], $0x1400, $0x38;
	[tilespmem:$0x17390] =	vst v63  }
0x13: {  	_ =	swait.ge [sflag:s11], $0x1400  }
0x14: {  	[sflag:s11] =	ssyncset.done $0x0  }
0x15: {  	s15 =	simm.s32 $0x1400;
	[sflag:s11] =	ssyncadd.s32 $0xFFFFEC00  }
0x16: {  	[tilespmem:s15], [sflag:$0x2] =	stream.linear.gather [hbm4b:s7+s3], $0x13880, $0x38;
	[tilespmem:$0x17390] =	vst v63  }
0x17: {  	_ =	swait.ge [sflag:s11], $0x13880  }
0x18: {  	[sflag:s11] =	ssyncset.done $0x0  }
0x19: {  	[sflag:s11] =	ssyncadd.s32 $0xFFFEC780  }
0x1a: {  	s16 =	simm.s32 $0x0;
	[bflag:$0x0] =	sbarrier.arrive $0xFFFF  }
.LBB2_2:
0x1b: {  	p0 =	sne.s32 s16, $0x4E00  }
.Ltmp0:
0x1c: {  	_ = 	snop;
	(pc) =	sbr.rel @p0 .LBB2_2-.Ltmp0, $4  }
0x1d: {  	_ = 	snop  }
0x1e: {  	s17 =	sshra.s32 s16, $0x2  }
0x1f: {  	[spmem:s2] =	stream.indirect.scatter.add.f32 [tilespmem:s15], [sflag:$0x1], $0x10, s17, s12, $0xb8;
	[tilespmem:$0x17390] =	vst v63  }
0x20: {  	s16 =	sadd.s32 $0x200, s16;
	s15 =	sadd.s32 $0x7D0, s15  }
0x21: {  	_ =	swait.ge [sflag:s13], $0x7D0  }
0x22: {  	s15 =	simm.s32 $0x27;
	[sflag:s13] =	ssyncset.done $0x0  }
.LBB2_4:
0x23: {  	p0 =	sne.s32 s15, $0x1;
	s15 =	sadd.s32 $0xFFFFFFFF, s15;
	[sflag:s13] =	ssyncadd.s32 $0xFFFFF830  }
.Ltmp1:
0x24: {  	(pc) =	sbr.rel @p0 .LBB2_4-.Ltmp1, $3  }
0x25: {  	_ =	sdelay $0x1  }
0x26: {  	_ =	swait.ge [sflag:s13], $0x7D0  }
0x27: {  	[sflag:s13] =	ssyncset.done $0x0  }
0x28: {  	s14 =	sadd.s32 $0x1, s14  }
0x29: {  	[sflag:s13] =	ssyncadd.s32 $0xFFFFF830;
	p0 =	sne.s32 s14, s9  }
.Ltmp2:
0x2a: {  	[bflag:$0x0] =	sbarrier.arrive $0xFFFF;
	(pc) =	sbr.rel @p0 .LBB2_1-.Ltmp2, $4  }
0x2b: {  	[hbm:s8], [sflag:s5] =	dma.local [spmem:s10], $0x4E2  }
0x2c: {  	_ =	swait.ge [sflag:s11], $0x4E2  }
0x2d: {  	[sflag:s11] =	ssyncset.done $0x0  }
0x2e: {  	[sflag:s11] =	ssyncadd.s32 $0xFFFFFB1E  }
0x2f: {  	_ =	sfence.sel $0x180000  }
0x30: {  	[bflag:$0x0] =	sbarrier.arrive $0xFFFF  }
0x31: {  	p0 =	sne.s32 s0, $0x0;
	_ =	strace $0x9000004A  }
0x32: {  	s0 =	sadd.s32 @!p0 $0x100000, s1;
	[bflag:$0x2] =	sbarrier.arrive $0xFFFF  }
0x33: {  	[sflag:s0] =	ssyncadd.tile.s32 @!p0 $0x1;
	_ =	shalt  }
.Lfunc_end2:
_tile_overlayer_lowered:
.L_overlay_start_2:
0x34: {  	(tag) =	ssettag $0x2  }
0x35: {  	s0 =	rddreg [dreg:$0x0];
	s2 =	stileid.u32  }
0x36: {  	s1 =	rddreg [dreg:$0x1];
	p0 =	sne.s32 s2, $0x0  }
0x37: {  	s3 =	rddreg [dreg:$0x2];
	[bflag:$0x3] =	sbarrier.arrive $0xFFFF;
	s2 =	simm.s32 @!p0 $0x1C02  }
0x38: {  	[timem:s3], [sflag:s2] =	dma.local @!p0 [hbm:s0], s1  }
0x39: {  	s0 =	simm.s32 @!p0 $0x2  }
0x3a: {  	_ =	swait.ge @!p0 [sflag:s0], s1  }
0x3b: {  	s1 =	ssub.s32 @!p0 $0x0, s1;
	[sflag:s0] =	ssyncset.done @!p0 $0x0  }
0x3c: {  	[sflag:s0] =	ssyncadd.s32 @!p0 s1  }
0x3d: {  	[bflag:$0x3] =	sbarrier.arrive $0xFFFF  }
0x3e: {  	_ =	shalt  }

// kernel: kernel.21.cloned.1.call-start
scs
__scs_entry_jumppad:
0x0: {  	(pc) =	sbr.rel $0x88, $3  }
0x1: {  	(tag) =	ssettag $0x0;
	lr =	simm.s32 $0x1  }
0x2: {  	[smem:$0x3F94] =	sst lr;
	_ =	strace $0xD0000000  }
0x3: {  	_ = 	snop  }
0x4: {  	_ = 	snop  }
0x5: {  	_ = 	snop  }
0x6: {  	_ = 	snop  }
0x7: {  	_ = 	snop  }
__scs_overlays_trampoline_lowered:
0x8: {  	[smem:$0x3FA3] =	sst s0  }
0x9: {  	[smem:$0x3FA4] =	sst s1  }
0xa: {  	[smem:$0x3FA5] =	sst s2  }
0xb: {  	[smem:$0x3FA6] =	sst s3  }
0xc: {  	[smem:$0x3FA7] =	sst s4  }
0xd: {  	[smem:$0x3FA8] =	sst s5  }
0xe: {  	[smem:$0x3FA9] =	sst s6  }
0xf: {  	[smem:$0x3FAA] =	sst s7  }
0x10: {  	[smem:$0x3FAB] =	sst s8  }
0x11: {  	[smem:$0x3FAC] =	sst s9;
	s0 =	simm.s32 @!p0 $0x0  }
0x12: {  	s1 =	sld [smem:$0x3F92];
	s0 =	simm.s32 @p0 $0x1  }
0x13: {  	[smem:$0x3FAD] =	sst s0;
	s0 =	simm.s32 @!p1 $0x0  }
0x14: {  	s2 =	sld [smem:$0x3F91];
	s0 =	simm.s32 @p1 $0x1  }
0x15: {  	[smem:$0x3FAE] =	sst s0;
	s0 =	simm.s32 @!p2 $0x0  }
0x16: {  	s3 =	sld [smem:$0x3FDB];
	s0 =	simm.s32 @p2 $0x1  }
0x17: {  	s4 =	simm.s32 $0x1BF5;
	[smem:$0x3FB0] =	sst s0  }
0x18: {  	s0 =	sld [smem:$0x3F93];
	_ =	swait.ge [sflag:s4], $0x0  }
0x19: {  	s7 =	sld [smem:$0x3F94]  }
0x1a: {  	s8 =	sadd.s32 $0xFFFFE003, lr  }
0x1b: {  	s9 =	sadd.s32 $0xFFFFFEF7, lr;
	s5 =	simm.s32 $0xFFFFFFFF;
	p2 =	slt.u32 s8, $0xFFFFF086  }
0x1c: {  	p1 =	slt.u32 s9, $0xF7A;
	s5 =	simm.s32 @!p2 $0x0  }
0x1d: {  	s5 =	simm.s32 @p1 $0x1;
	p0 =	seq.s32 s7, s2  }
0x1e: {  	s7 =	smul.u32 @!p0 $0xF7A, s2;
	p2 =	seq.s32 @!p0 s5, $0x0  }
0x1f: {  	s9 =	smul.u32 $0xF7A, s1;
	s8 =	simm.s32 @!p0 $0x1BF5;
	p2 =	por !p2, p0  }
0x20: {  	[sflag:s8] =	ssyncset.s32 @!p0 $0xFFFFF086;
	s6 =	sadd.s32 @!p0 s3, s7;
	s7 =	simm.s32 @!p0 $0x108  }
0x21: {  	s3 =	sadd.s32 s3, s9;
	s6 =	sadd.s32 @!p0 $0x88, s6;
	s7 =	simm.s32 @p2 $0x1082  }
0x22: {  	[simem:s7], [sflag:s8] =	dma.local @!p0 [hbm:s6], $0xF7A  }
0x23: {  	s9 =	sor.u32 $0xD0000000, s2;
	s6 =	simm.s32 $0x108;
	_ =	swait.ge @!p0 [sflag:s8], $0x0  }
0x24: {  	s3 =	sadd.s32 $0x88, s3;
	s6 =	simm.s32 @!p1 $0x1082;
	[sflag:s4] =	ssyncset.s32 $0xFFFFF086  }
0x25: {  	[simem:s6], [sflag:s4] =	dma.local [hbm:s3], $0xF7A  }
0x26: {  	[smem:$0x3F94] =	sst s1;
	(tag) =	ssettag s2;
	_ =	strace s9  }
0x27: {  	s1 =	sld [smem:$0x3FA4]  }
0x28: {  	s2 =	sld [smem:$0x3FA5]  }
0x29: {  	s4 =	sld [smem:$0x3FA7]  }
0x2a: {  	p0 =	seq.s32 s5, $0x0;
	s5 =	sld [smem:$0x3FA8]  }
0x2b: {  	s6 =	sld [smem:$0x3FA9]  }
0x2c: {  	s7 =	sld [smem:$0x3FAA]  }
0x2d: {  	s3 =	simm.s32 $0x108;
	s8 =	sld [smem:$0x3FAB]  }
0x2e: {  	s3 =	simm.s32 @!p0 $0x1082;
	s9 =	sld [smem:$0x3FAC]  }
0x2f: {  	lr =	sadd.s32 s0, s3;
	s0 =	sld [smem:$0x3FA3]  }
0x30: {  	s3 =	sld [smem:$0x3FA6]  }
0x31: {  	[smem:$0x3FAF] =	sst s10  }
0x32: {  	s10 =	sld [smem:$0x3FAD];
	_ =	sdelay $0x3  }
0x33: {  	p0 =	seq.s32 s10, $0x1;
	s10 =	sld [smem:$0x3FAF];
	_ =	sdelay $0x3  }
0x34: {  	[smem:$0x3FAF] =	sst s10  }
0x35: {  	s10 =	sld [smem:$0x3FAE];
	_ =	sdelay $0x3  }
0x36: {  	p1 =	seq.s32 s10, $0x1;
	s10 =	sld [smem:$0x3FAF];
	_ =	sdelay $0x3  }
0x37: {  	[smem:$0x3FAF] =	sst s10  }
0x38: {  	s10 =	sld [smem:$0x3FB0]  }
0x39: {  	_ = 	snop;
	(pc) =	sbr.ind lr, $3  }
0x3a: {  	_ = 	snop  }
0x3b: {  	_ = 	snop  }
0x3c: {  	p2 =	seq.s32 s10, $0x1;
	s10 =	sld [smem:$0x3FAF]  }
0x3d: {  	_ =	shalt  }
0x3e: {  	_ =	shalt  }
0x3f: {  	_ =	shalt  }
0x40: {  	_ =	shalt  }
0x41: {  	_ =	shalt  }
0x42: {  	_ =	shalt  }
0x43: {  	_ =	shalt  }
0x44: {  	_ =	shalt  }
0x45: {  	_ =	shalt  }
0x46: {  	_ =	shalt  }
0x47: {  	_ =	shalt  }
0x48: {  	_ =	shalt  }
0x49: {  	_ =	shalt  }
0x4a: {  	_ =	shalt  }
0x4b: {  	_ =	shalt  }
0x4c: {  	_ =	shalt  }
0x4d: {  	_ =	shalt  }
0x4e: {  	_ =	shalt  }
0x4f: {  	_ =	shalt  }
0x50: {  	_ =	shalt  }
0x51: {  	_ =	shalt  }
0x52: {  	_ =	shalt  }
0x53: {  	_ =	shalt  }
0x54: {  	_ =	shalt  }
0x55: {  	_ =	shalt  }
0x56: {  	_ =	shalt  }
0x57: {  	_ =	shalt  }
0x58: {  	_ =	shalt  }
0x59: {  	_ =	shalt  }
0x5a: {  	_ =	shalt  }
0x5b: {  	_ =	shalt  }
0x5c: {  	_ =	shalt  }
0x5d: {  	_ =	shalt  }
0x5e: {  	_ =	shalt  }
0x5f: {  	_ =	shalt  }
0x60: {  	_ =	shalt  }
0x61: {  	_ =	shalt  }
0x62: {  	_ =	shalt  }
0x63: {  	_ =	shalt  }
0x64: {  	_ =	shalt  }
0x65: {  	_ =	shalt  }
0x66: {  	_ =	shalt  }
0x67: {  	_ =	shalt  }
0x68: {  	_ =	shalt  }
0x69: {  	_ =	shalt  }
0x6a: {  	_ =	shalt  }
0x6b: {  	_ =	shalt  }
0x6c: {  	_ =	shalt  }
0x6d: {  	_ =	shalt  }
0x6e: {  	_ =	shalt  }
0x6f: {  	_ =	shalt  }
0x70: {  	_ =	shalt  }
0x71: {  	_ =	shalt  }
0x72: {  	_ =	shalt  }
0x73: {  	_ =	shalt  }
0x74: {  	_ =	shalt  }
0x75: {  	_ =	shalt  }
0x76: {  	_ =	shalt  }
0x77: {  	_ =	shalt  }
0x78: {  	_ =	shalt  }
0x79: {  	_ =	shalt  }
0x7a: {  	_ =	shalt  }
0x7b: {  	_ =	shalt  }
0x7c: {  	_ =	shalt  }
0x7d: {  	_ =	shalt  }
0x7e: {  	_ =	shalt  }
0x7f: {  	_ =	shalt  }
0x80: {  	_ =	shalt  }
0x81: {  	_ =	shalt  }
0x82: {  	_ =	shalt  }
0x83: {  	_ =	shalt  }
0x84: {  	_ =	shalt  }
0x85: {  	_ =	shalt  }
0x86: {  	_ =	shalt  }
0x87: {  	_ =	shalt  }
.Lfunc_end0:
.L_simem_size_0:
called_computation.2_lowered:
.L_overlay_start_0:
0x88: {  	s2 =	sld [smem:$0x3FD9]  }
0x89: {  	s3 =	sld [smem:$0x3FFE];
	_ =	sdelay $0x1  }
0x8a: {  	s1 =	srdreg.scid  }
0x8b: {  	s0 =	sand.u32 $0x1, s1  }
0x8c: {  	s17 =	sshll.u32 s0, $0xA;
	s2 =	sadd.s32 s3, s2  }
0x8d: {  	s2 =	sadd.s32 s2, s17  }
0x8e: {  	[smem:$0x3FBB] =	sst s2  }
0x8f: {  	_ = 	snop  }
0x90: {  	s2 =	sld [smem:$0x3FD0];
	(tm) =	ssettm $0x1  }
0x91: {  	s18 =	sld [smem:$0x3FFB];
	_ =	sdelay $0x3  }
0x92: {  	_ =	strace s18  }
0x93: {  	s3 =	sld [smem:$0x3FFC];
	_ =	sdelay $0x3  }
0x94: {  	_ =	strace s3  }
0x95: {  	s3 =	sld [smem:$0x3FFD];
	_ =	sdelay $0x3  }
0x96: {  	_ =	strace s3  }
0x97: {  	_ =	strace $0x8FFFFFFF  }
0x98: {  	s19 =	sld [smem:$0x3FDB];
	_ =	sdelay $0x1  }
0x99: {  	s4 =	simm.s32 $_scs_section_size  }
0x9a: {  	s5 =	simm.s32 $_size__tile_overlayer_lowered;
	s6 =	simm.s32 $_tile_overlayer_lowered  }
0x9b: {  	s22 =	simm.s32 $0x1BFF;
	s21 =	sshll.u32 s6, $0x1;
	s3 =	sadd.s32 s4, s19  }
0x9c: {  	s7 =	simm.s32 $0x0;
	s20 =	sshll.u32 s5, $0x1;
	s5 =	sadd.s32 s21, s3  }
0x9d: {  	[timem:s7], [sflag:s22] =	dma.local [hbm:s5], s20  }
0x9e: {  	_ =	swait.ge [sflag:s22], s20  }
0x9f: {  	s4 =	ssub.s32 $0x0, s20;
	[sflag:s22] =	ssyncset.done $0x0  }
0xa0: {  	[sflag:s22] =	ssyncadd.s32 s4;
	_ =	sdelay $0x1  }
0xa1: {  	s23 =	simm.s32 $0x1B8B  }
0xa2: {  	_ =	swait.ge [sflag:s23], $0x1  }
0xa3: {  	[sflag:s23] =	ssyncset.done $0x0  }
0xa4: {  	s25 =	simm.s32 $0x1B8E;
	s24 =	sld [smem:$0x3FFE];
	[sflag:s23] =	ssyncadd.s32 $0xFFFFFFFF  }
0xa5: {  	s26 =	simm.s32 $execute0_lowered;
	[smem:$0x3FD2] =	sst s25  }
0xa6: {  	s5 =	sshll.u32 s26, $0x1;
	_ =	strace $0x8000004C;
	[dreg:$0x1] =	wrdreg $0xFFFFFFFF  }
0xa7: {  	s28 =	simm.s32 $_size_execute0_lowered;
	s3 =	sadd.s32 s3, s5;
	[dreg:$0x0] =	wrdreg $0x0  }
0xa8: {  	s5 =	sshll.u32 s28, $0x1;
	[dreg:$0x2] =	wrdreg s3  }
0xa9: {  	[dreg:$0x3] =	wrdreg s5  }
0xaa: {  	[dreg:$0x4] =	wrdreg $0xC0  }
0xab: {  	_ =	task [dreg:s7], $0x5FFFF  }
0xac: {  	[dreg:$0x1] =	wrdreg $0xFFFFFFFF  }
0xad: {  	[dreg:$0x0] =	wrdreg $0x60  }
0xae: {  	[dreg:$0x2] =	wrdreg s2  }
0xaf: {  	[dreg:$0x3] =	wrdreg s24  }
0xb0: {  	[dreg:$0x4] =	wrdreg $0x9  }
0xb1: {  	_ =	task.clear_ibuf [dreg:s7], $0x5FFFF;
	_ =	strace $0x9000004C  }
0xb2: {  	s29 =	simm.s32 $0x9;
	_ =	strace $0x8000004E  }
0xb3: {  	_ =	swait.ge [sflag:s29], $0x1  }
0xb4: {  	[sflag:s29] =	ssyncadd.s32 $0xFFFFFFFF  }
0xb5: {  	_ =	strace $0x9000004E  }
0xb6: {  	_ =	sfence  }
0xb7: {  	s30 =	sld [smem:$0x0];
	_ =	sdelay $0x2  }
0xb8: {  	s31 =	sshll.u32 s1, $0xD;
	s1 =	sshrl.u32 s1, $0x2  }
0xb9: {  	s3 =	sand.u32 $0x4000, s31;
	s1 =	sadd.s32 s1, s30  }
0xba: {  	s0 =	sor.u32 s3, s0;
	s1 =	sshll.u32 s1, $0x11  }
0xbb: {  	s0 =	sor.u32 s1, s0  }
0xbc: {  	s0 =	sadd.s32 $0x8F2B, s0  }
0xbd: {  	[sflag:s0] =	ssyncadd.remote.s32 $0x1  }
0xbe: {  	_ =	sfence.sel $0xFFFF  }
0xbf: {  	[dreg:$0x0] =	wrdreg $0xFFFFFFFF;
	(pc) =	sbr.abs _section_cstart, $3  }
0xc0: {  	[dreg:$0x1] =	wrdreg $0xFFFFFFFF  }
0xc1: {  	_ =	task.clear_ibuf [dreg:s7], $0x2FFFF;
	_ =	strace $0x9FFFFFFF  }
0xc2: {  	(tm) =	ssettm $0x7FFFFFFF  }
0xc3: {  	_ =	shalt  }
tec
execute0_lowered:
.L_overlay_start_1:
0x0: {  	(tag) =	ssettag $0x1  }
0x1: {  	s0 =	srdreg.scid;
	s2 =	rddreg [dreg:$0x0]  }
0x2: {  	s5 =	rddreg [dreg:$0x1];
	s3 =	simm.s32 $0x0;
	s4 =	sand.u32 $0x1, s0  }
0x3: {  	s8 =	simm.s32 $0x7D;
	s0 =	stileid.u32;
	s1 =	sshll.u32 s4, $0x4  }
0x4: {  	s9 =	simm.s32 $0x1;
	s10 =	simm.s32 $0x1400;
	s6 =	sor.u32 s0, s1  }
0x5: {  	s11 =	simm.s32 $0x0;
	[smem:$0x7FF] =	sst s3;
	s7 =	smul.u32 $0x280, s6  }
0x6: {  	s4 =	ssub.s32 $0x2, s4;
	s1 =	rddreg [dreg:$0x2];
	s6 =	smul.u32 $0x2710, s6  }
0x7: {  	_ =	strace $0x8000004D;
	s31 =	sshrl.u32 s4, $0x1;
	s7 =	sadd.s32 s7, s5  }
0x8: {  	s5 =	sadd.s32 s6, s5;
	s6 =	ssub.s32 s4, s31;
	s4 =	sadd.s32 $0x5400, s7  }
0x9: {  	s5 =	sadd.s32 $0xA400, s5;
	s6 =	smax.u32 s6, $0x1;
	s7 =	simm.s32 $0x2  }
.LBB2_1:
0xa: {  	[tilespmem:s3], [sflag:$0x2] =	stream.linear.gather [hbm4b:s4+s3], $0x1400, $0x38;
	[tilespmem:$0x14C80] =	vst v63  }
0xb: {  	_ =	swait.ge [sflag:s7], $0x1400  }
0xc: {  	[sflag:s7] =	ssyncset.done $0x0  }
0xd: {  	s12 =	simm.s32 $0x1400;
	s13 =	simm.s32 $0x0;
	[sflag:s7] =	ssyncadd.s32 $0xFFFFEC00  }
.LBB2_2:
0xe: {  	p0 =	sne.s32 s13, $0x4E00  }
.Ltmp0:
0xf: {  	_ = 	snop;
	(pc) =	sbr.rel @p0 .LBB2_2-.Ltmp0, $4  }
0x10: {  	_ = 	snop  }
0x11: {  	s14 =	sshra.s32 s13, $0x2  }
0x12: {  	[tilespmem:s12], [sflag:$0x1] =	stream.indirect.gather [hbm4b:s2+s8], $0x10, s14, s8, $0xb8;
	[tilespmem:$0x14C80] =	vst v63  }
0x13: {  	s13 =	sadd.s32 $0x200, s13;
	s12 =	sadd.s32 $0x7D0, s12  }
0x14: {  	_ =	swait.ge [sflag:s9], $0x7D0  }
0x15: {  	s12 =	simm.s32 $0x27;
	[sflag:s9] =	ssyncset.done $0x0  }
.LBB2_4:
0x16: {  	p0 =	sne.s32 s12, $0x1;
	s12 =	sadd.s32 $0xFFFFFFFF, s12;
	[sflag:s9] =	ssyncadd.s32 $0xFFFFF830  }
.Ltmp1:
0x17: {  	(pc) =	sbr.rel @p0 .LBB2_4-.Ltmp1, $3  }
0x18: {  	_ =	sdelay $0x1  }
0x19: {  	_ =	swait.ge [sflag:s9], $0x7D0  }
0x1a: {  	[sflag:s9] =	ssyncset.done $0x0  }
0x1b: {  	s11 =	sadd.s32 $0x1, s11  }
0x1c: {  	p0 =	sne.s32 s11, s6  }
.Ltmp2:
0x1d: {  	[sflag:s9] =	ssyncadd.s32 $0xFFFFF830;
	(pc) =	sbr.rel @p0 .LBB2_1-.Ltmp2, $4  }
0x1e: {  	[hbm4b:s5+s3] =	stream.linear.scatter [tilespmem:s10], [sflag:$0x2], $0x13880, $0x38;
	[tilespmem:$0x14C80] =	vst v63  }
0x1f: {  	_ =	swait.ge [sflag:s7], $0x13880  }
0x20: {  	[sflag:s7] =	ssyncset.done $0x0  }
0x21: {  	[sflag:s7] =	ssyncadd.s32 $0xFFFEC780  }
0x22: {  	_ =	sfence.sel $0x180000  }
0x23: {  	[bflag:$0x0] =	sbarrier.arrive $0xFFFF  }
0x24: {  	p0 =	sne.s32 s0, $0x0;
	_ =	strace $0x9000004D  }
0x25: {  	s0 =	sadd.s32 @!p0 $0x100000, s1;
	[bflag:$0x2] =	sbarrier.arrive $0xFFFF  }
0x26: {  	[sflag:s0] =	ssyncadd.tile.s32 @!p0 $0x1;
	_ =	shalt  }
.Lfunc_end2:
_tile_overlayer_lowered:
.L_overlay_start_2:
0x27: {  	(tag) =	ssettag $0x2  }
0x28: {  	s0 =	rddreg [dreg:$0x0];
	s2 =	stileid.u32  }
0x29: {  	s1 =	rddreg [dreg:$0x1];
	p0 =	sne.s32 s2, $0x0  }
0x2a: {  	s3 =	rddreg [dreg:$0x2];
	[bflag:$0x3] =	sbarrier.arrive $0xFFFF;
	s2 =	simm.s32 @!p0 $0x1C02  }
0x2b: {  	[timem:s3], [sflag:s2] =	dma.local @!p0 [hbm:s0], s1  }
0x2c: {  	s0 =	simm.s32 @!p0 $0x2  }
0x2d: {  	_ =	swait.ge @!p0 [sflag:s0], s1  }
0x2e: {  	s1 =	ssub.s32 @!p0 $0x0, s1;
	[sflag:s0] =	ssyncset.done @!p0 $0x0  }
0x2f: {  	[sflag:s0] =	ssyncadd.s32 @!p0 s1  }
0x30: {  	[bflag:$0x3] =	sbarrier.arrive $0xFFFF  }
0x31: {  	_ =	shalt  }

// kernel: kernel.24.cloned.1.call-start
scs
__scs_entry_jumppad:
0x0: {  	(pc) =	sbr.rel $0x88, $3  }
0x1: {  	(tag) =	ssettag $0x0;
	lr =	simm.s32 $0x1  }
0x2: {  	[smem:$0x3F94] =	sst lr;
	_ =	strace $0xD0000000  }
0x3: {  	_ = 	snop  }
0x4: {  	_ = 	snop  }
0x5: {  	_ = 	snop  }
0x6: {  	_ = 	snop  }
0x7: {  	_ = 	snop  }
__scs_overlays_trampoline_lowered:
0x8: {  	[smem:$0x3FA3] =	sst s0  }
0x9: {  	[smem:$0x3FA4] =	sst s1  }
0xa: {  	[smem:$0x3FA5] =	sst s2  }
0xb: {  	[smem:$0x3FA6] =	sst s3  }
0xc: {  	[smem:$0x3FA7] =	sst s4  }
0xd: {  	[smem:$0x3FA8] =	sst s5  }
0xe: {  	[smem:$0x3FA9] =	sst s6  }
0xf: {  	[smem:$0x3FAA] =	sst s7  }
0x10: {  	[smem:$0x3FAB] =	sst s8  }
0x11: {  	[smem:$0x3FAC] =	sst s9;
	s0 =	simm.s32 @!p0 $0x0  }
0x12: {  	s1 =	sld [smem:$0x3F92];
	s0 =	simm.s32 @p0 $0x1  }
0x13: {  	[smem:$0x3FAD] =	sst s0;
	s0 =	simm.s32 @!p1 $0x0  }
0x14: {  	s2 =	sld [smem:$0x3F91];
	s0 =	simm.s32 @p1 $0x1  }
0x15: {  	[smem:$0x3FAE] =	sst s0;
	s0 =	simm.s32 @!p2 $0x0  }
0x16: {  	s3 =	sld [smem:$0x3FDB];
	s0 =	simm.s32 @p2 $0x1  }
0x17: {  	s4 =	simm.s32 $0x1BF5;
	[smem:$0x3FB0] =	sst s0  }
0x18: {  	s0 =	sld [smem:$0x3F93];
	_ =	swait.ge [sflag:s4], $0x0  }
0x19: {  	s7 =	sld [smem:$0x3F94]  }
0x1a: {  	s8 =	sadd.s32 $0xFFFFE003, lr  }
0x1b: {  	s9 =	sadd.s32 $0xFFFFFEF7, lr;
	s5 =	simm.s32 $0xFFFFFFFF;
	p2 =	slt.u32 s8, $0xFFFFF086  }
0x1c: {  	p1 =	slt.u32 s9, $0xF7A;
	s5 =	simm.s32 @!p2 $0x0  }
0x1d: {  	s5 =	simm.s32 @p1 $0x1;
	p0 =	seq.s32 s7, s2  }
0x1e: {  	s7 =	smul.u32 @!p0 $0xF7A, s2;
	p2 =	seq.s32 @!p0 s5, $0x0  }
0x1f: {  	s9 =	smul.u32 $0xF7A, s1;
	s8 =	simm.s32 @!p0 $0x1BF5;
	p2 =	por !p2, p0  }
0x20: {  	[sflag:s8] =	ssyncset.s32 @!p0 $0xFFFFF086;
	s6 =	sadd.s32 @!p0 s3, s7;
	s7 =	simm.s32 @!p0 $0x108  }
0x21: {  	s3 =	sadd.s32 s3, s9;
	s6 =	sadd.s32 @!p0 $0x88, s6;
	s7 =	simm.s32 @p2 $0x1082  }
0x22: {  	[simem:s7], [sflag:s8] =	dma.local @!p0 [hbm:s6], $0xF7A  }
0x23: {  	s9 =	sor.u32 $0xD0000000, s2;
	s6 =	simm.s32 $0x108;
	_ =	swait.ge @!p0 [sflag:s8], $0x0  }
0x24: {  	s3 =	sadd.s32 $0x88, s3;
	s6 =	simm.s32 @!p1 $0x1082;
	[sflag:s4] =	ssyncset.s32 $0xFFFFF086  }
0x25: {  	[simem:s6], [sflag:s4] =	dma.local [hbm:s3], $0xF7A  }
0x26: {  	[smem:$0x3F94] =	sst s1;
	(tag) =	ssettag s2;
	_ =	strace s9  }
0x27: {  	s1 =	sld [smem:$0x3FA4]  }
0x28: {  	s2 =	sld [smem:$0x3FA5]  }
0x29: {  	s4 =	sld [smem:$0x3FA7]  }
0x2a: {  	p0 =	seq.s32 s5, $0x0;
	s5 =	sld [smem:$0x3FA8]  }
0x2b: {  	s6 =	sld [smem:$0x3FA9]  }
0x2c: {  	s7 =	sld [smem:$0x3FAA]  }
0x2d: {  	s3 =	simm.s32 $0x108;
	s8 =	sld [smem:$0x3FAB]  }
0x2e: {  	s3 =	simm.s32 @!p0 $0x1082;
	s9 =	sld [smem:$0x3FAC]  }
0x2f: {  	lr =	sadd.s32 s0, s3;
	s0 =	sld [smem:$0x3FA3]  }
0x30: {  	s3 =	sld [smem:$0x3FA6]  }
0x31: {  	[smem:$0x3FAF] =	sst s10  }
0x32: {  	s10 =	sld [smem:$0x3FAD];
	_ =	sdelay $0x3  }
0x33: {  	p0 =	seq.s32 s10, $0x1;
	s10 =	sld [smem:$0x3FAF];
	_ =	sdelay $0x3  }
0x34: {  	[smem:$0x3FAF] =	sst s10  }
0x35: {  	s10 =	sld [smem:$0x3FAE];
	_ =	sdelay $0x3  }
0x36: {  	p1 =	seq.s32 s10, $0x1;
	s10 =	sld [smem:$0x3FAF];
	_ =	sdelay $0x3  }
0x37: {  	[smem:$0x3FAF] =	sst s10  }
0x38: {  	s10 =	sld [smem:$0x3FB0]  }
0x39: {  	_ = 	snop;
	(pc) =	sbr.ind lr, $3  }
0x3a: {  	_ = 	snop  }
0x3b: {  	_ = 	snop  }
0x3c: {  	p2 =	seq.s32 s10, $0x1;
	s10 =	sld [smem:$0x3FAF]  }
0x3d: {  	_ =	shalt  }
0x3e: {  	_ =	shalt  }
0x3f: {  	_ =	shalt  }
0x40: {  	_ =	shalt  }
0x41: {  	_ =	shalt  }
0x42: {  	_ =	shalt  }
0x43: {  	_ =	shalt  }
0x44: {  	_ =	shalt  }
0x45: {  	_ =	shalt  }
0x46: {  	_ =	shalt  }
0x47: {  	_ =	shalt  }
0x48: {  	_ =	shalt  }
0x49: {  	_ =	shalt  }
0x4a: {  	_ =	shalt  }
0x4b: {  	_ =	shalt  }
0x4c: {  	_ =	shalt  }
0x4d: {  	_ =	shalt  }
0x4e: {  	_ =	shalt  }
0x4f: {  	_ =	shalt  }
0x50: {  	_ =	shalt  }
0x51: {  	_ =	shalt  }
0x52: {  	_ =	shalt  }
0x53: {  	_ =	shalt  }
0x54: {  	_ =	shalt  }
0x55: {  	_ =	shalt  }
0x56: {  	_ =	shalt  }
0x57: {  	_ =	shalt  }
0x58: {  	_ =	shalt  }
0x59: {  	_ =	shalt  }
0x5a: {  	_ =	shalt  }
0x5b: {  	_ =	shalt  }
0x5c: {  	_ =	shalt  }
0x5d: {  	_ =	shalt  }
0x5e: {  	_ =	shalt  }
0x5f: {  	_ =	shalt  }
0x60: {  	_ =	shalt  }
0x61: {  	_ =	shalt  }
0x62: {  	_ =	shalt  }
0x63: {  	_ =	shalt  }
0x64: {  	_ =	shalt  }
0x65: {  	_ =	shalt  }
0x66: {  	_ =	shalt  }
0x67: {  	_ =	shalt  }
0x68: {  	_ =	shalt  }
0x69: {  	_ =	shalt  }
0x6a: {  	_ =	shalt  }
0x6b: {  	_ =	shalt  }
0x6c: {  	_ =	shalt  }
0x6d: {  	_ =	shalt  }
0x6e: {  	_ =	shalt  }
0x6f: {  	_ =	shalt  }
0x70: {  	_ =	shalt  }
0x71: {  	_ =	shalt  }
0x72: {  	_ =	shalt  }
0x73: {  	_ =	shalt  }
0x74: {  	_ =	shalt  }
0x75: {  	_ =	shalt  }
0x76: {  	_ =	shalt  }
0x77: {  	_ =	shalt  }
0x78: {  	_ =	shalt  }
0x79: {  	_ =	shalt  }
0x7a: {  	_ =	shalt  }
0x7b: {  	_ =	shalt  }
0x7c: {  	_ =	shalt  }
0x7d: {  	_ =	shalt  }
0x7e: {  	_ =	shalt  }
0x7f: {  	_ =	shalt  }
0x80: {  	_ =	shalt  }
0x81: {  	_ =	shalt  }
0x82: {  	_ =	shalt  }
0x83: {  	_ =	shalt  }
0x84: {  	_ =	shalt  }
0x85: {  	_ =	shalt  }
0x86: {  	_ =	shalt  }
0x87: {  	_ =	shalt  }
.Lfunc_end0:
.L_simem_size_0:
called_computation.3_lowered:
.L_overlay_start_0:
0x88: {  	s2 =	sld [smem:$0x3FD9]  }
0x89: {  	s3 =	sld [smem:$0x3FFE];
	_ =	sdelay $0x1  }
0x8a: {  	s1 =	srdreg.scid  }
0x8b: {  	s0 =	sand.u32 $0x1, s1  }
0x8c: {  	s16 =	sshll.u32 s0, $0xA;
	s2 =	sadd.s32 s3, s2  }
0x8d: {  	s2 =	sadd.s32 s2, s16  }
0x8e: {  	[smem:$0x3FBB] =	sst s2  }
0x8f: {  	_ = 	snop  }
0x90: {  	(tm) =	ssettm $0x1  }
0x91: {  	s17 =	sld [smem:$0x3FFB];
	_ =	sdelay $0x3  }
0x92: {  	_ =	strace s17  }
0x93: {  	s2 =	sld [smem:$0x3FFC];
	_ =	sdelay $0x3  }
0x94: {  	_ =	strace s2  }
0x95: {  	s2 =	sld [smem:$0x3FFD];
	_ =	sdelay $0x3  }
0x96: {  	_ =	strace s2  }
0x97: {  	_ =	strace $0x8FFFFFFF  }
0x98: {  	s18 =	sld [smem:$0x3FDB];
	_ =	sdelay $0x1  }
0x99: {  	s19 =	simm.s32 $_scs_section_size  }
0x9a: {  	s4 =	simm.s32 $_size__tile_overlayer_lowered;
	s5 =	simm.s32 $_tile_overlayer_lowered  }
0x9b: {  	s22 =	simm.s32 $0x1BFF;
	s21 =	sshll.u32 s5, $0x1;
	s2 =	sadd.s32 s19, s18  }
0x9c: {  	s6 =	simm.s32 $0x0;
	s20 =	sshll.u32 s4, $0x1;
	s4 =	sadd.s32 s21, s2  }
0x9d: {  	[timem:s6], [sflag:s22] =	dma.local [hbm:s4], s20  }
0x9e: {  	_ =	swait.ge [sflag:s22], s20  }
0x9f: {  	s3 =	ssub.s32 $0x0, s20;
	[sflag:s22] =	ssyncset.done $0x0  }
0xa0: {  	[sflag:s22] =	ssyncadd.s32 s3;
	_ =	sdelay $0x1  }
0xa1: {  	s23 =	simm.s32 $0x1B8B  }
0xa2: {  	_ =	swait.ge [sflag:s23], $0x1  }
0xa3: {  	[sflag:s23] =	ssyncset.done $0x0  }
0xa4: {  	s25 =	simm.s32 $0x1B8E;
	s24 =	sld [smem:$0x3FFE];
	[sflag:s23] =	ssyncadd.s32 $0xFFFFFFFF  }
0xa5: {  	s26 =	simm.s32 $execute0_lowered;
	[smem:$0x3FD2] =	sst s25  }
0xa6: {  	s4 =	sshll.u32 s26, $0x1;
	_ =	strace $0x8000004F;
	[dreg:$0x1] =	wrdreg $0xFFFFFFFF  }
0xa7: {  	s28 =	simm.s32 $_size_execute0_lowered;
	s2 =	sadd.s32 s2, s4;
	[dreg:$0x0] =	wrdreg $0x0  }
0xa8: {  	s4 =	sshll.u32 s28, $0x1;
	[dreg:$0x2] =	wrdreg s2  }
0xa9: {  	[dreg:$0x3] =	wrdreg s4  }
0xaa: {  	[dreg:$0x4] =	wrdreg $0xC0  }
0xab: {  	_ =	task [dreg:s6], $0x5FFFF  }
0xac: {  	[dreg:$0x1] =	wrdreg $0xFFFFFFFF  }
0xad: {  	[dreg:$0x0] =	wrdreg $0x60  }
0xae: {  	[dreg:$0x2] =	wrdreg s24  }
0xaf: {  	[dreg:$0x3] =	wrdreg $0x14C800  }
0xb0: {  	[dreg:$0x4] =	wrdreg $0x9  }
0xb1: {  	_ =	task.clear_ibuf [dreg:s6], $0x5FFFF;
	_ =	strace $0x9000004F  }
0xb2: {  	s29 =	simm.s32 $0x9;
	_ =	strace $0x80000051  }
0xb3: {  	_ =	swait.ge [sflag:s29], $0x1  }
0xb4: {  	[sflag:s29] =	ssyncadd.s32 $0xFFFFFFFF  }
0xb5: {  	_ =	strace $0x90000051  }
0xb6: {  	_ =	sfence  }
0xb7: {  	s30 =	sld [smem:$0x0];
	_ =	sdelay $0x2  }
0xb8: {  	s31 =	sshll.u32 s1, $0xD;
	s1 =	sshrl.u32 s1, $0x2  }
0xb9: {  	s3 =	sand.u32 $0x4000, s31;
	s1 =	sadd.s32 s1, s30  }
0xba: {  	s0 =	sor.u32 s3, s0;
	s1 =	sshll.u32 s1, $0x11  }
0xbb: {  	s0 =	sor.u32 s1, s0  }
0xbc: {  	s0 =	sadd.s32 $0x8F2B, s0  }
0xbd: {  	[sflag:s0] =	ssyncadd.remote.s32 $0x1  }
0xbe: {  	_ =	sfence.sel $0xFFFF  }
0xbf: {  	[dreg:$0x0] =	wrdreg $0xFFFFFFFF;
	(pc) =	sbr.abs _section_cstart, $3  }
0xc0: {  	[dreg:$0x1] =	wrdreg $0xFFFFFFFF  }
0xc1: {  	_ =	task.clear_ibuf [dreg:s6], $0x2FFFF;
	_ =	strace $0x9FFFFFFF  }
0xc2: {  	(tm) =	ssettm $0x7FFFFFFF  }
0xc3: {  	_ =	shalt  }
tec
execute0_lowered:
.L_overlay_start_1:
0x0: {  	(tag) =	ssettag $0x1  }
0x1: {  	s0 =	srdreg.scid;
	s5 =	rddreg [dreg:$0x0]  }
0x2: {  	s2 =	rddreg [dreg:$0x1];
	s3 =	simm.s32 $0x0;
	s13 =	simm.s32 $0x1  }
0x3: {  	s14 =	simm.s32 $0x0;
	s4 =	sand.u32 $0x1, s0;
	s0 =	stileid.u32  }
0x4: {  	[smem:$0x7FF] =	sst s3;
	s1 =	sshll.u32 s4, $0x4;
	s8 =	smul.u32 $0x2710, s0  }
0x5: {  	s9 =	smul.u32 $0x27100, s4;
	s4 =	ssub.s32 $0x2, s4;
	s1 =	sor.u32 s0, s1  }
0x6: {  	s31 =	sshll.u32 s0, $0x6;
	s11 =	sshrl.u32 s4, $0x1;
	s6 =	smul.u32 $0x2710, s1  }
0x7: {  	s7 =	smul.u32 $0x280, s1;
	s1 =	rddreg [dreg:$0x2];
	_ =	strace $0x80000050  }
0x8: {  	s30 =	sshrl.u32 s8, $0x3;
	s9 =	sadd.s32 s8, s9;
	s11 =	ssub.s32 s4, s11  }
0x9: {  	s12 =	sadd.s32 s8, s2;
	s9 =	sshrl.u32 s9, $0x3;
	s10 =	sadd.s32 s6, s5  }
0xa: {  	s29 =	sadd.s32 s7, s5;
	s7 =	sadd.s32 s30, s5;
	s9 =	sadd.s32 s9, s5  }
0xb: {  	s5 =	sor.u32 $0x1C02, s31;
	s4 =	sadd.s32 $0x5D600, s7;
	s6 =	sadd.s32 $0x58600, s29  }
0xc: {  	s7 =	sadd.s32 $0xA400, s10;
	s8 =	sadd.s32 $0x62600, s9;
	s9 =	smax.u32 s11, $0x1  }
0xd: {  	s10 =	sshrl.u32 s12, $0x3;
	s11 =	simm.s32 $0x2;
	s12 =	simm.s32 $0x7D  }
.LBB2_1:
0xe: {  	[spmem:s10], [sflag:s5] =	dma.local [hbm:s4], $0x4E2  }
0xf: {  	_ =	swait.ge [sflag:s11], $0x4E2  }
0x10: {  	[sflag:s11] =	ssyncset.done $0x0  }
0x11: {  	[sflag:s11] =	ssyncadd.s32 $0xFFFFFB1E  }
0x12: {  	[tilespmem:s3], [sflag:$0x2] =	stream.linear.gather [hbm4b:s6+s3], $0x1400, $0x38;
	[tilespmem:$0x17390] =	vst v63  }
0x13: {  	_ =	swait.ge [sflag:s11], $0x1400  }
0x14: {  	[sflag:s11] =	ssyncset.done $0x0  }
0x15: {  	s15 =	simm.s32 $0x1400;
	[sflag:s11] =	ssyncadd.s32 $0xFFFFEC00  }
0x16: {  	[tilespmem:s15], [sflag:$0x2] =	stream.linear.gather [hbm4b:s7+s3], $0x13880, $0x38;
	[tilespmem:$0x17390] =	vst v63  }
0x17: {  	_ =	swait.ge [sflag:s11], $0x13880  }
0x18: {  	[sflag:s11] =	ssyncset.done $0x0  }
0x19: {  	[sflag:s11] =	ssyncadd.s32 $0xFFFEC780  }
0x1a: {  	s16 =	simm.s32 $0x0;
	[bflag:$0x0] =	sbarrier.arrive $0xFFFF  }
.LBB2_2:
0x1b: {  	p0 =	sne.s32 s16, $0x4E00  }
.Ltmp0:
0x1c: {  	_ = 	snop;
	(pc) =	sbr.rel @p0 .LBB2_2-.Ltmp0, $4  }
0x1d: {  	_ = 	snop  }
0x1e: {  	s17 =	sshra.s32 s16, $0x2  }
0x1f: {  	[spmem:s2] =	stream.indirect.scatter.add.f32 [tilespmem:s15], [sflag:$0x1], $0x10, s17, s12, $0xb8;
	[tilespmem:$0x17390] =	vst v63  }
0x20: {  	s16 =	sadd.s32 $0x200, s16;
	s15 =	sadd.s32 $0x7D0, s15  }
0x21: {  	_ =	swait.ge [sflag:s13], $0x7D0  }
0x22: {  	s15 =	simm.s32 $0x27;
	[sflag:s13] =	ssyncset.done $0x0  }
.LBB2_4:
0x23: {  	p0 =	sne.s32 s15, $0x1;
	s15 =	sadd.s32 $0xFFFFFFFF, s15;
	[sflag:s13] =	ssyncadd.s32 $0xFFFFF830  }
.Ltmp1:
0x24: {  	(pc) =	sbr.rel @p0 .LBB2_4-.Ltmp1, $3  }
0x25: {  	_ =	sdelay $0x1  }
0x26: {  	_ =	swait.ge [sflag:s13], $0x7D0  }
0x27: {  	[sflag:s13] =	ssyncset.done $0x0  }
0x28: {  	s14 =	sadd.s32 $0x1, s14  }
0x29: {  	[sflag:s13] =	ssyncadd.s32 $0xFFFFF830;
	p0 =	sne.s32 s14, s9  }
.Ltmp2:
0x2a: {  	[bflag:$0x0] =	sbarrier.arrive $0xFFFF;
	(pc) =	sbr.rel @p0 .LBB2_1-.Ltmp2, $4  }
0x2b: {  	[hbm:s8], [sflag:s5] =	dma.local [spmem:s10], $0x4E2  }
0x2c: {  	_ =	swait.ge [sflag:s11], $0x4E2  }
0x2d: {  	[sflag:s11] =	ssyncset.done $0x0  }
0x2e: {  	[sflag:s11] =	ssyncadd.s32 $0xFFFFFB1E  }
0x2f: {  	_ =	sfence.sel $0x180000  }
0x30: {  	[bflag:$0x0] =	sbarrier.arrive $0xFFFF  }
0x31: {  	p0 =	sne.s32 s0, $0x0;
	_ =	strace $0x90000050  }
0x32: {  	s0 =	sadd.s32 @!p0 $0x100000, s1;
	[bflag:$0x2] =	sbarrier.arrive $0xFFFF  }
0x33: {  	[sflag:s0] =	ssyncadd.tile.s32 @!p0 $0x1;
	_ =	shalt  }
.Lfunc_end2:
_tile_overlayer_lowered:
.L_overlay_start_2:
0x34: {  	(tag) =	ssettag $0x2  }
0x35: {  	s0 =	rddreg [dreg:$0x0];
	s2 =	stileid.u32  }
0x36: {  	s1 =	rddreg [dreg:$0x1];
	p0 =	sne.s32 s2, $0x0  }
0x37: {  	s3 =	rddreg [dreg:$0x2];
	[bflag:$0x3] =	sbarrier.arrive $0xFFFF;
	s2 =	simm.s32 @!p0 $0x1C02  }
0x38: {  	[timem:s3], [sflag:s2] =	dma.local @!p0 [hbm:s0], s1  }
0x39: {  	s0 =	simm.s32 @!p0 $0x2  }
0x3a: {  	_ =	swait.ge @!p0 [sflag:s0], s1  }
0x3b: {  	s1 =	ssub.s32 @!p0 $0x0, s1;
	[sflag:s0] =	ssyncset.done @!p0 $0x0  }
0x3c: {  	[sflag:s0] =	ssyncadd.s32 @!p0 s1  }
0x3d: {  	[bflag:$0x3] =	sbarrier.arrive $0xFFFF  }
0x3e: {  	_ =	shalt  }

// kernel: kernel.27.cloned.1.call-start
scs
__scs_entry_jumppad:
0x0: {  	(pc) =	sbr.rel $0x88, $3  }
0x1: {  	(tag) =	ssettag $0x0;
	lr =	simm.s32 $0x1  }
0x2: {  	[smem:$0x3F94] =	sst lr;
	_ =	strace $0xD0000000  }
0x3: {  	_ = 	snop  }
0x4: {  	_ = 	snop  }
0x5: {  	_ = 	snop  }
0x6: {  	_ = 	snop  }
0x7: {  	_ = 	snop  }
__scs_overlays_trampoline_lowered:
0x8: {  	[smem:$0x3FA3] =	sst s0  }
0x9: {  	[smem:$0x3FA4] =	sst s1  }
0xa: {  	[smem:$0x3FA5] =	sst s2  }
0xb: {  	[smem:$0x3FA6] =	sst s3  }
0xc: {  	[smem:$0x3FA7] =	sst s4  }
0xd: {  	[smem:$0x3FA8] =	sst s5  }
0xe: {  	[smem:$0x3FA9] =	sst s6  }
0xf: {  	[smem:$0x3FAA] =	sst s7  }
0x10: {  	[smem:$0x3FAB] =	sst s8  }
0x11: {  	[smem:$0x3FAC] =	sst s9;
	s0 =	simm.s32 @!p0 $0x0  }
0x12: {  	s1 =	sld [smem:$0x3F92];
	s0 =	simm.s32 @p0 $0x1  }
0x13: {  	[smem:$0x3FAD] =	sst s0;
	s0 =	simm.s32 @!p1 $0x0  }
0x14: {  	s2 =	sld [smem:$0x3F91];
	s0 =	simm.s32 @p1 $0x1  }
0x15: {  	[smem:$0x3FAE] =	sst s0;
	s0 =	simm.s32 @!p2 $0x0  }
0x16: {  	s3 =	sld [smem:$0x3FDB];
	s0 =	simm.s32 @p2 $0x1  }
0x17: {  	s4 =	simm.s32 $0x1BF5;
	[smem:$0x3FB0] =	sst s0  }
0x18: {  	s0 =	sld [smem:$0x3F93];
	_ =	swait.ge [sflag:s4], $0x0  }
0x19: {  	s7 =	sld [smem:$0x3F94]  }
0x1a: {  	s8 =	sadd.s32 $0xFFFFE003, lr  }
0x1b: {  	s9 =	sadd.s32 $0xFFFFFEF7, lr;
	s5 =	simm.s32 $0xFFFFFFFF;
	p2 =	slt.u32 s8, $0xFFFFF086  }
0x1c: {  	p1 =	slt.u32 s9, $0xF7A;
	s5 =	simm.s32 @!p2 $0x0  }
0x1d: {  	s5 =	simm.s32 @p1 $0x1;
	p0 =	seq.s32 s7, s2  }
0x1e: {  	s7 =	smul.u32 @!p0 $0xF7A, s2;
	p2 =	seq.s32 @!p0 s5, $0x0  }
0x1f: {  	s9 =	smul.u32 $0xF7A, s1;
	s8 =	simm.s32 @!p0 $0x1BF5;
	p2 =	por !p2, p0  }
0x20: {  	[sflag:s8] =	ssyncset.s32 @!p0 $0xFFFFF086;
	s6 =	sadd.s32 @!p0 s3, s7;
	s7 =	simm.s32 @!p0 $0x108  }
0x21: {  	s3 =	sadd.s32 s3, s9;
	s6 =	sadd.s32 @!p0 $0x88, s6;
	s7 =	simm.s32 @p2 $0x1082  }
0x22: {  	[simem:s7], [sflag:s8] =	dma.local @!p0 [hbm:s6], $0xF7A  }
0x23: {  	s9 =	sor.u32 $0xD0000000, s2;
	s6 =	simm.s32 $0x108;
	_ =	swait.ge @!p0 [sflag:s8], $0x0  }
0x24: {  	s3 =	sadd.s32 $0x88, s3;
	s6 =	simm.s32 @!p1 $0x1082;
	[sflag:s4] =	ssyncset.s32 $0xFFFFF086  }
0x25: {  	[simem:s6], [sflag:s4] =	dma.local [hbm:s3], $0xF7A  }
0x26: {  	[smem:$0x3F94] =	sst s1;
	(tag) =	ssettag s2;
	_ =	strace s9  }
0x27: {  	s1 =	sld [smem:$0x3FA4]  }
0x28: {  	s2 =	sld [smem:$0x3FA5]  }
0x29: {  	s4 =	sld [smem:$0x3FA7]  }
0x2a: {  	p0 =	seq.s32 s5, $0x0;
	s5 =	sld [smem:$0x3FA8]  }
0x2b: {  	s6 =	sld [smem:$0x3FA9]  }
0x2c: {  	s7 =	sld [smem:$0x3FAA]  }
0x2d: {  	s3 =	simm.s32 $0x108;
	s8 =	sld [smem:$0x3FAB]  }
0x2e: {  	s3 =	simm.s32 @!p0 $0x1082;
	s9 =	sld [smem:$0x3FAC]  }
0x2f: {  	lr =	sadd.s32 s0, s3;
	s0 =	sld [smem:$0x3FA3]  }
0x30: {  	s3 =	sld [smem:$0x3FA6]  }
0x31: {  	[smem:$0x3FAF] =	sst s10  }
0x32: {  	s10 =	sld [smem:$0x3FAD];
	_ =	sdelay $0x3  }
0x33: {  	p0 =	seq.s32 s10, $0x1;
	s10 =	sld [smem:$0x3FAF];
	_ =	sdelay $0x3  }
0x34: {  	[smem:$0x3FAF] =	sst s10  }
0x35: {  	s10 =	sld [smem:$0x3FAE];
	_ =	sdelay $0x3  }
0x36: {  	p1 =	seq.s32 s10, $0x1;
	s10 =	sld [smem:$0x3FAF];
	_ =	sdelay $0x3  }
0x37: {  	[smem:$0x3FAF] =	sst s10  }
0x38: {  	s10 =	sld [smem:$0x3FB0]  }
0x39: {  	_ = 	snop;
	(pc) =	sbr.ind lr, $3  }
0x3a: {  	_ = 	snop  }
0x3b: {  	_ = 	snop  }
0x3c: {  	p2 =	seq.s32 s10, $0x1;
	s10 =	sld [smem:$0x3FAF]  }
0x3d: {  	_ =	shalt  }
0x3e: {  	_ =	shalt  }
0x3f: {  	_ =	shalt  }
0x40: {  	_ =	shalt  }
0x41: {  	_ =	shalt  }
0x42: {  	_ =	shalt  }
0x43: {  	_ =	shalt  }
0x44: {  	_ =	shalt  }
0x45: {  	_ =	shalt  }
0x46: {  	_ =	shalt  }
0x47: {  	_ =	shalt  }
0x48: {  	_ =	shalt  }
0x49: {  	_ =	shalt  }
0x4a: {  	_ =	shalt  }
0x4b: {  	_ =	shalt  }
0x4c: {  	_ =	shalt  }
0x4d: {  	_ =	shalt  }
0x4e: {  	_ =	shalt  }
0x4f: {  	_ =	shalt  }
0x50: {  	_ =	shalt  }
0x51: {  	_ =	shalt  }
0x52: {  	_ =	shalt  }
0x53: {  	_ =	shalt  }
0x54: {  	_ =	shalt  }
0x55: {  	_ =	shalt  }
0x56: {  	_ =	shalt  }
0x57: {  	_ =	shalt  }
0x58: {  	_ =	shalt  }
0x59: {  	_ =	shalt  }
0x5a: {  	_ =	shalt  }
0x5b: {  	_ =	shalt  }
0x5c: {  	_ =	shalt  }
0x5d: {  	_ =	shalt  }
0x5e: {  	_ =	shalt  }
0x5f: {  	_ =	shalt  }
0x60: {  	_ =	shalt  }
0x61: {  	_ =	shalt  }
0x62: {  	_ =	shalt  }
0x63: {  	_ =	shalt  }
0x64: {  	_ =	shalt  }
0x65: {  	_ =	shalt  }
0x66: {  	_ =	shalt  }
0x67: {  	_ =	shalt  }
0x68: {  	_ =	shalt  }
0x69: {  	_ =	shalt  }
0x6a: {  	_ =	shalt  }
0x6b: {  	_ =	shalt  }
0x6c: {  	_ =	shalt  }
0x6d: {  	_ =	shalt  }
0x6e: {  	_ =	shalt  }
0x6f: {  	_ =	shalt  }
0x70: {  	_ =	shalt  }
0x71: {  	_ =	shalt  }
0x72: {  	_ =	shalt  }
0x73: {  	_ =	shalt  }
0x74: {  	_ =	shalt  }
0x75: {  	_ =	shalt  }
0x76: {  	_ =	shalt  }
0x77: {  	_ =	shalt  }
0x78: {  	_ =	shalt  }
0x79: {  	_ =	shalt  }
0x7a: {  	_ =	shalt  }
0x7b: {  	_ =	shalt  }
0x7c: {  	_ =	shalt  }
0x7d: {  	_ =	shalt  }
0x7e: {  	_ =	shalt  }
0x7f: {  	_ =	shalt  }
0x80: {  	_ =	shalt  }
0x81: {  	_ =	shalt  }
0x82: {  	_ =	shalt  }
0x83: {  	_ =	shalt  }
0x84: {  	_ =	shalt  }
0x85: {  	_ =	shalt  }
0x86: {  	_ =	shalt  }
0x87: {  	_ =	shalt  }
.Lfunc_end0:
.L_simem_size_0:
called_computation.4_lowered:
.L_overlay_start_0:
0x88: {  	s2 =	sld [smem:$0x3FD9]  }
0x89: {  	s3 =	sld [smem:$0x3FFE];
	_ =	sdelay $0x1  }
0x8a: {  	s1 =	srdreg.scid  }
0x8b: {  	s0 =	sand.u32 $0x1, s1  }
0x8c: {  	s17 =	sshll.u32 s0, $0xA;
	s2 =	sadd.s32 s3, s2  }
0x8d: {  	s2 =	sadd.s32 s2, s17  }
0x8e: {  	[smem:$0x3FBB] =	sst s2  }
0x8f: {  	_ = 	snop  }
0x90: {  	s2 =	sld [smem:$0x3FD0];
	(tm) =	ssettm $0x1  }
0x91: {  	s18 =	sld [smem:$0x3FFB];
	_ =	sdelay $0x3  }
0x92: {  	_ =	strace s18  }
0x93: {  	s3 =	sld [smem:$0x3FFC];
	_ =	sdelay $0x3  }
0x94: {  	_ =	strace s3  }
0x95: {  	s3 =	sld [smem:$0x3FFD];
	_ =	sdelay $0x3  }
0x96: {  	_ =	strace s3  }
0x97: {  	_ =	strace $0x8FFFFFFF  }
0x98: {  	s19 =	sld [smem:$0x3FDB];
	_ =	sdelay $0x1  }
0x99: {  	s4 =	simm.s32 $_scs_section_size  }
0x9a: {  	s5 =	simm.s32 $_size__tile_overlayer_lowered;
	s6 =	simm.s32 $_tile_overlayer_lowered  }
0x9b: {  	s22 =	simm.s32 $0x1BFF;
	s21 =	sshll.u32 s6, $0x1;
	s3 =	sadd.s32 s4, s19  }
0x9c: {  	s7 =	simm.s32 $0x0;
	s20 =	sshll.u32 s5, $0x1;
	s5 =	sadd.s32 s21, s3  }
0x9d: {  	[timem:s7], [sflag:s22] =	dma.local [hbm:s5], s20  }
0x9e: {  	_ =	swait.ge [sflag:s22], s20  }
0x9f: {  	s4 =	ssub.s32 $0x0, s20;
	[sflag:s22] =	ssyncset.done $0x0  }
0xa0: {  	[sflag:s22] =	ssyncadd.s32 s4;
	_ =	sdelay $0x1  }
0xa1: {  	s23 =	simm.s32 $0x1B8B  }
0xa2: {  	_ =	swait.ge [sflag:s23], $0x1  }
0xa3: {  	[sflag:s23] =	ssyncset.done $0x0  }
0xa4: {  	s25 =	simm.s32 $0x1B8E;
	s24 =	sld [smem:$0x3FFE];
	[sflag:s23] =	ssyncadd.s32 $0xFFFFFFFF  }
0xa5: {  	s26 =	simm.s32 $execute0_lowered;
	[smem:$0x3FD2] =	sst s25  }
0xa6: {  	s5 =	sshll.u32 s26, $0x1;
	_ =	strace $0x80000052;
	[dreg:$0x1] =	wrdreg $0xFFFFFFFF  }
0xa7: {  	s28 =	simm.s32 $_size_execute0_lowered;
	s3 =	sadd.s32 s3, s5;
	[dreg:$0x0] =	wrdreg $0x0  }
0xa8: {  	s5 =	sshll.u32 s28, $0x1;
	[dreg:$0x2] =	wrdreg s3  }
0xa9: {  	[dreg:$0x3] =	wrdreg s5  }
0xaa: {  	[dreg:$0x4] =	wrdreg $0xC0  }
0xab: {  	_ =	task [dreg:s7], $0x5FFFF  }
0xac: {  	[dreg:$0x1] =	wrdreg $0xFFFFFFFF  }
0xad: {  	[dreg:$0x0] =	wrdreg $0x60  }
0xae: {  	[dreg:$0x2] =	wrdreg s2  }
0xaf: {  	[dreg:$0x3] =	wrdreg s24  }
0xb0: {  	[dreg:$0x4] =	wrdreg $0x9  }
0xb1: {  	_ =	task.clear_ibuf [dreg:s7], $0x5FFFF;
	_ =	strace $0x90000052  }
0xb2: {  	s29 =	simm.s32 $0x9;
	_ =	strace $0x80000054  }
0xb3: {  	_ =	swait.ge [sflag:s29], $0x1  }
0xb4: {  	[sflag:s29] =	ssyncadd.s32 $0xFFFFFFFF  }
0xb5: {  	_ =	strace $0x90000054  }
0xb6: {  	_ =	sfence  }
0xb7: {  	s30 =	sld [smem:$0x0];
	_ =	sdelay $0x2  }
0xb8: {  	s31 =	sshll.u32 s1, $0xD;
	s1 =	sshrl.u32 s1, $0x2  }
0xb9: {  	s3 =	sand.u32 $0x4000, s31;
	s1 =	sadd.s32 s1, s30  }
0xba: {  	s0 =	sor.u32 s3, s0;
	s1 =	sshll.u32 s1, $0x11  }
0xbb: {  	s0 =	sor.u32 s1, s0  }
0xbc: {  	s0 =	sadd.s32 $0x8F2B, s0  }
0xbd: {  	[sflag:s0] =	ssyncadd.remote.s32 $0x1  }
0xbe: {  	_ =	sfence.sel $0xFFFF  }
0xbf: {  	[dreg:$0x0] =	wrdreg $0xFFFFFFFF;
	(pc) =	sbr.abs _section_cstart, $3  }
0xc0: {  	[dreg:$0x1] =	wrdreg $0xFFFFFFFF  }
0xc1: {  	_ =	task.clear_ibuf [dreg:s7], $0x2FFFF;
	_ =	strace $0x9FFFFFFF  }
0xc2: {  	(tm) =	ssettm $0x7FFFFFFF  }
0xc3: {  	_ =	shalt  }
tec
execute0_lowered:
.L_overlay_start_1:
0x0: {  	(tag) =	ssettag $0x1  }
0x1: {  	s0 =	srdreg.scid;
	s2 =	rddreg [dreg:$0x0]  }
0x2: {  	s5 =	rddreg [dreg:$0x1];
	s3 =	simm.s32 $0x0;
	s4 =	sand.u32 $0x1, s0  }
0x3: {  	s8 =	simm.s32 $0x7D;
	s0 =	stileid.u32;
	s1 =	sshll.u32 s4, $0x4  }
0x4: {  	s9 =	simm.s32 $0x1;
	s10 =	simm.s32 $0x1400;
	s6 =	sor.u32 s0, s1  }
0x5: {  	s11 =	simm.s32 $0x0;
	[smem:$0x7FF] =	sst s3;
	s7 =	smul.u32 $0x280, s6  }
0x6: {  	s4 =	ssub.s32 $0x2, s4;
	s1 =	rddreg [dreg:$0x2];
	s6 =	smul.u32 $0x2710, s6  }
0x7: {  	_ =	strace $0x80000053;
	s31 =	sshrl.u32 s4, $0x1;
	s7 =	sadd.s32 s7, s5  }
0x8: {  	s5 =	sadd.s32 s6, s5;
	s6 =	ssub.s32 s4, s31;
	s4 =	sadd.s32 $0x5400, s7  }
0x9: {  	s5 =	sadd.s32 $0xA400, s5;
	s6 =	smax.u32 s6, $0x1;
	s7 =	simm.s32 $0x2  }
.LBB2_1:
0xa: {  	[tilespmem:s3], [sflag:$0x2] =	stream.linear.gather [hbm4b:s4+s3], $0x1400, $0x38;
	[tilespmem:$0x14C80] =	vst v63  }
0xb: {  	_ =	swait.ge [sflag:s7], $0x1400  }
0xc: {  	[sflag:s7] =	ssyncset.done $0x0  }
0xd: {  	s12 =	simm.s32 $0x1400;
	s13 =	simm.s32 $0x0;
	[sflag:s7] =	ssyncadd.s32 $0xFFFFEC00  }
.LBB2_2:
0xe: {  	p0 =	sne.s32 s13, $0x4E00  }
.Ltmp0:
0xf: {  	_ = 	snop;
	(pc) =	sbr.rel @p0 .LBB2_2-.Ltmp0, $4  }
0x10: {  	_ = 	snop  }
0x11: {  	s14 =	sshra.s32 s13, $0x2  }
0x12: {  	[tilespmem:s12], [sflag:$0x1] =	stream.indirect.gather [hbm4b:s2+s8], $0x10, s14, s8, $0xb8;
	[tilespmem:$0x14C80] =	vst v63  }
0x13: {  	s13 =	sadd.s32 $0x200, s13;
	s12 =	sadd.s32 $0x7D0, s12  }
0x14: {  	_ =	swait.ge [sflag:s9], $0x7D0  }
0x15: {  	s12 =	simm.s32 $0x27;
	[sflag:s9] =	ssyncset.done $0x0  }
.LBB2_4:
0x16: {  	p0 =	sne.s32 s12, $0x1;
	s12 =	sadd.s32 $0xFFFFFFFF, s12;
	[sflag:s9] =	ssyncadd.s32 $0xFFFFF830  }
.Ltmp1:
0x17: {  	(pc) =	sbr.rel @p0 .LBB2_4-.Ltmp1, $3  }
0x18: {  	_ =	sdelay $0x1  }
0x19: {  	_ =	swait.ge [sflag:s9], $0x7D0  }
0x1a: {  	[sflag:s9] =	ssyncset.done $0x0  }
0x1b: {  	s11 =	sadd.s32 $0x1, s11  }
0x1c: {  	p0 =	sne.s32 s11, s6  }
.Ltmp2:
0x1d: {  	[sflag:s9] =	ssyncadd.s32 $0xFFFFF830;
	(pc) =	sbr.rel @p0 .LBB2_1-.Ltmp2, $4  }
0x1e: {  	[hbm4b:s5+s3] =	stream.linear.scatter [tilespmem:s10], [sflag:$0x2], $0x13880, $0x38;
	[tilespmem:$0x14C80] =	vst v63  }
0x1f: {  	_ =	swait.ge [sflag:s7], $0x13880  }
0x20: {  	[sflag:s7] =	ssyncset.done $0x0  }
0x21: {  	[sflag:s7] =	ssyncadd.s32 $0xFFFEC780  }
0x22: {  	_ =	sfence.sel $0x180000  }
0x23: {  	[bflag:$0x0] =	sbarrier.arrive $0xFFFF  }
0x24: {  	p0 =	sne.s32 s0, $0x0;
	_ =	strace $0x90000053  }
0x25: {  	s0 =	sadd.s32 @!p0 $0x100000, s1;
	[bflag:$0x2] =	sbarrier.arrive $0xFFFF  }
0x26: {  	[sflag:s0] =	ssyncadd.tile.s32 @!p0 $0x1;
	_ =	shalt  }
.Lfunc_end2:
_tile_overlayer_lowered:
.L_overlay_start_2:
0x27: {  	(tag) =	ssettag $0x2  }
0x28: {  	s0 =	rddreg [dreg:$0x0];
	s2 =	stileid.u32  }
0x29: {  	s1 =	rddreg [dreg:$0x1];
	p0 =	sne.s32 s2, $0x0  }
0x2a: {  	s3 =	rddreg [dreg:$0x2];
	[bflag:$0x3] =	sbarrier.arrive $0xFFFF;
	s2 =	simm.s32 @!p0 $0x1C02  }
0x2b: {  	[timem:s3], [sflag:s2] =	dma.local @!p0 [hbm:s0], s1  }
0x2c: {  	s0 =	simm.s32 @!p0 $0x2  }
0x2d: {  	_ =	swait.ge @!p0 [sflag:s0], s1  }
0x2e: {  	s1 =	ssub.s32 @!p0 $0x0, s1;
	[sflag:s0] =	ssyncset.done @!p0 $0x0  }
0x2f: {  	[sflag:s0] =	ssyncadd.s32 @!p0 s1  }
0x30: {  	[bflag:$0x3] =	sbarrier.arrive $0xFFFF  }
0x31: {  	_ =	shalt  }

// kernel: kernel.30.cloned.1.call-start
scs
__scs_entry_jumppad:
0x0: {  	(pc) =	sbr.rel $0x88, $3  }
0x1: {  	(tag) =	ssettag $0x0;
	lr =	simm.s32 $0x1  }
0x2: {  	[smem:$0x3F94] =	sst lr;
	_ =	strace $0xD0000000  }
0x3: {  	_ = 	snop  }
0x4: {  	_ = 	snop  }
0x5: {  	_ = 	snop  }
0x6: {  	_ = 	snop  }
0x7: {  	_ = 	snop  }
__scs_overlays_trampoline_lowered:
0x8: {  	[smem:$0x3FA3] =	sst s0  }
0x9: {  	[smem:$0x3FA4] =	sst s1  }
0xa: {  	[smem:$0x3FA5] =	sst s2  }
0xb: {  	[smem:$0x3FA6] =	sst s3  }
0xc: {  	[smem:$0x3FA7] =	sst s4  }
0xd: {  	[smem:$0x3FA8] =	sst s5  }
0xe: {  	[smem:$0x3FA9] =	sst s6  }
0xf: {  	[smem:$0x3FAA] =	sst s7  }
0x10: {  	[smem:$0x3FAB] =	sst s8  }
0x11: {  	[smem:$0x3FAC] =	sst s9;
	s0 =	simm.s32 @!p0 $0x0  }
0x12: {  	s1 =	sld [smem:$0x3F92];
	s0 =	simm.s32 @p0 $0x1  }
0x13: {  	[smem:$0x3FAD] =	sst s0;
	s0 =	simm.s32 @!p1 $0x0  }
0x14: {  	s2 =	sld [smem:$0x3F91];
	s0 =	simm.s32 @p1 $0x1  }
0x15: {  	[smem:$0x3FAE] =	sst s0;
	s0 =	simm.s32 @!p2 $0x0  }
0x16: {  	s3 =	sld [smem:$0x3FDB];
	s0 =	simm.s32 @p2 $0x1  }
0x17: {  	s4 =	simm.s32 $0x1BF5;
	[smem:$0x3FB0] =	sst s0  }
0x18: {  	s0 =	sld [smem:$0x3F93];
	_ =	swait.ge [sflag:s4], $0x0  }
0x19: {  	s7 =	sld [smem:$0x3F94]  }
0x1a: {  	s8 =	sadd.s32 $0xFFFFE003, lr  }
0x1b: {  	s9 =	sadd.s32 $0xFFFFFEF7, lr;
	s5 =	simm.s32 $0xFFFFFFFF;
	p2 =	slt.u32 s8, $0xFFFFF086  }
0x1c: {  	p1 =	slt.u32 s9, $0xF7A;
	s5 =	simm.s32 @!p2 $0x0  }
0x1d: {  	s5 =	simm.s32 @p1 $0x1;
	p0 =	seq.s32 s7, s2  }
0x1e: {  	s7 =	smul.u32 @!p0 $0xF7A, s2;
	p2 =	seq.s32 @!p0 s5, $0x0  }
0x1f: {  	s9 =	smul.u32 $0xF7A, s1;
	s8 =	simm.s32 @!p0 $0x1BF5;
	p2 =	por !p2, p0  }
0x20: {  	[sflag:s8] =	ssyncset.s32 @!p0 $0xFFFFF086;
	s6 =	sadd.s32 @!p0 s3, s7;
	s7 =	simm.s32 @!p0 $0x108  }
0x21: {  	s3 =	sadd.s32 s3, s9;
	s6 =	sadd.s32 @!p0 $0x88, s6;
	s7 =	simm.s32 @p2 $0x1082  }
0x22: {  	[simem:s7], [sflag:s8] =	dma.local @!p0 [hbm:s6], $0xF7A  }
0x23: {  	s9 =	sor.u32 $0xD0000000, s2;
	s6 =	simm.s32 $0x108;
	_ =	swait.ge @!p0 [sflag:s8], $0x0  }
0x24: {  	s3 =	sadd.s32 $0x88, s3;
	s6 =	simm.s32 @!p1 $0x1082;
	[sflag:s4] =	ssyncset.s32 $0xFFFFF086  }
0x25: {  	[simem:s6], [sflag:s4] =	dma.local [hbm:s3], $0xF7A  }
0x26: {  	[smem:$0x3F94] =	sst s1;
	(tag) =	ssettag s2;
	_ =	strace s9  }
0x27: {  	s1 =	sld [smem:$0x3FA4]  }
0x28: {  	s2 =	sld [smem:$0x3FA5]  }
0x29: {  	s4 =	sld [smem:$0x3FA7]  }
0x2a: {  	p0 =	seq.s32 s5, $0x0;
	s5 =	sld [smem:$0x3FA8]  }
0x2b: {  	s6 =	sld [smem:$0x3FA9]  }
0x2c: {  	s7 =	sld [smem:$0x3FAA]  }
0x2d: {  	s3 =	simm.s32 $0x108;
	s8 =	sld [smem:$0x3FAB]  }
0x2e: {  	s3 =	simm.s32 @!p0 $0x1082;
	s9 =	sld [smem:$0x3FAC]  }
0x2f: {  	lr =	sadd.s32 s0, s3;
	s0 =	sld [smem:$0x3FA3]  }
0x30: {  	s3 =	sld [smem:$0x3FA6]  }
0x31: {  	[smem:$0x3FAF] =	sst s10  }
0x32: {  	s10 =	sld [smem:$0x3FAD];
	_ =	sdelay $0x3  }
0x33: {  	p0 =	seq.s32 s10, $0x1;
	s10 =	sld [smem:$0x3FAF];
	_ =	sdelay $0x3  }
0x34: {  	[smem:$0x3FAF] =	sst s10  }
0x35: {  	s10 =	sld [smem:$0x3FAE];
	_ =	sdelay $0x3  }
0x36: {  	p1 =	seq.s32 s10, $0x1;
	s10 =	sld [smem:$0x3FAF];
	_ =	sdelay $0x3  }
0x37: {  	[smem:$0x3FAF] =	sst s10  }
0x38: {  	s10 =	sld [smem:$0x3FB0]  }
0x39: {  	_ = 	snop;
	(pc) =	sbr.ind lr, $3  }
0x3a: {  	_ = 	snop  }
0x3b: {  	_ = 	snop  }
0x3c: {  	p2 =	seq.s32 s10, $0x1;
	s10 =	sld [smem:$0x3FAF]  }
0x3d: {  	_ =	shalt  }
0x3e: {  	_ =	shalt  }
0x3f: {  	_ =	shalt  }
0x40: {  	_ =	shalt  }
0x41: {  	_ =	shalt  }
0x42: {  	_ =	shalt  }
0x43: {  	_ =	shalt  }
0x44: {  	_ =	shalt  }
0x45: {  	_ =	shalt  }
0x46: {  	_ =	shalt  }
0x47: {  	_ =	shalt  }
0x48: {  	_ =	shalt  }
0x49: {  	_ =	shalt  }
0x4a: {  	_ =	shalt  }
0x4b: {  	_ =	shalt  }
0x4c: {  	_ =	shalt  }
0x4d: {  	_ =	shalt  }
0x4e: {  	_ =	shalt  }
0x4f: {  	_ =	shalt  }
0x50: {  	_ =	shalt  }
0x51: {  	_ =	shalt  }
0x52: {  	_ =	shalt  }
0x53: {  	_ =	shalt  }
0x54: {  	_ =	shalt  }
0x55: {  	_ =	shalt  }
0x56: {  	_ =	shalt  }
0x57: {  	_ =	shalt  }
0x58: {  	_ =	shalt  }
0x59: {  	_ =	shalt  }
0x5a: {  	_ =	shalt  }
0x5b: {  	_ =	shalt  }
0x5c: {  	_ =	shalt  }
0x5d: {  	_ =	shalt  }
0x5e: {  	_ =	shalt  }
0x5f: {  	_ =	shalt  }
0x60: {  	_ =	shalt  }
0x61: {  	_ =	shalt  }
0x62: {  	_ =	shalt  }
0x63: {  	_ =	shalt  }
0x64: {  	_ =	shalt  }
0x65: {  	_ =	shalt  }
0x66: {  	_ =	shalt  }
0x67: {  	_ =	shalt  }
0x68: {  	_ =	shalt  }
0x69: {  	_ =	shalt  }
0x6a: {  	_ =	shalt  }
0x6b: {  	_ =	shalt  }
0x6c: {  	_ =	shalt  }
0x6d: {  	_ =	shalt  }
0x6e: {  	_ =	shalt  }
0x6f: {  	_ =	shalt  }
0x70: {  	_ =	shalt  }
0x71: {  	_ =	shalt  }
0x72: {  	_ =	shalt  }
0x73: {  	_ =	shalt  }
0x74: {  	_ =	shalt  }
0x75: {  	_ =	shalt  }
0x76: {  	_ =	shalt  }
0x77: {  	_ =	shalt  }
0x78: {  	_ =	shalt  }
0x79: {  	_ =	shalt  }
0x7a: {  	_ =	shalt  }
0x7b: {  	_ =	shalt  }
0x7c: {  	_ =	shalt  }
0x7d: {  	_ =	shalt  }
0x7e: {  	_ =	shalt  }
0x7f: {  	_ =	shalt  }
0x80: {  	_ =	shalt  }
0x81: {  	_ =	shalt  }
0x82: {  	_ =	shalt  }
0x83: {  	_ =	shalt  }
0x84: {  	_ =	shalt  }
0x85: {  	_ =	shalt  }
0x86: {  	_ =	shalt  }
0x87: {  	_ =	shalt  }
.Lfunc_end0:
.L_simem_size_0:
called_computation.5_lowered:
.L_overlay_start_0:
0x88: {  	s2 =	sld [smem:$0x3FD9]  }
0x89: {  	s3 =	sld [smem:$0x3FFE];
	_ =	sdelay $0x1  }
0x8a: {  	s1 =	srdreg.scid  }
0x8b: {  	s0 =	sand.u32 $0x1, s1  }
0x8c: {  	s16 =	sshll.u32 s0, $0xA;
	s2 =	sadd.s32 s3, s2  }
0x8d: {  	s2 =	sadd.s32 s2, s16  }
0x8e: {  	[smem:$0x3FBB] =	sst s2  }
0x8f: {  	_ = 	snop  }
0x90: {  	(tm) =	ssettm $0x1  }
0x91: {  	s17 =	sld [smem:$0x3FFB];
	_ =	sdelay $0x3  }
0x92: {  	_ =	strace s17  }
0x93: {  	s2 =	sld [smem:$0x3FFC];
	_ =	sdelay $0x3  }
0x94: {  	_ =	strace s2  }
0x95: {  	s2 =	sld [smem:$0x3FFD];
	_ =	sdelay $0x3  }
0x96: {  	_ =	strace s2  }
0x97: {  	_ =	strace $0x8FFFFFFF  }
0x98: {  	s18 =	sld [smem:$0x3FDB];
	_ =	sdelay $0x1  }
0x99: {  	s19 =	simm.s32 $_scs_section_size  }
0x9a: {  	s4 =	simm.s32 $_size__tile_overlayer_lowered;
	s5 =	simm.s32 $_tile_overlayer_lowered  }
0x9b: {  	s22 =	simm.s32 $0x1BFF;
	s21 =	sshll.u32 s5, $0x1;
	s2 =	sadd.s32 s19, s18  }
0x9c: {  	s6 =	simm.s32 $0x0;
	s20 =	sshll.u32 s4, $0x1;
	s4 =	sadd.s32 s21, s2  }
0x9d: {  	[timem:s6], [sflag:s22] =	dma.local [hbm:s4], s20  }
0x9e: {  	_ =	swait.ge [sflag:s22], s20  }
0x9f: {  	s3 =	ssub.s32 $0x0, s20;
	[sflag:s22] =	ssyncset.done $0x0  }
0xa0: {  	[sflag:s22] =	ssyncadd.s32 s3;
	_ =	sdelay $0x1  }
0xa1: {  	s23 =	simm.s32 $0x1B8B  }
0xa2: {  	_ =	swait.ge [sflag:s23], $0x1  }
0xa3: {  	[sflag:s23] =	ssyncset.done $0x0  }
0xa4: {  	s25 =	simm.s32 $0x1B8E;
	s24 =	sld [smem:$0x3FFE];
	[sflag:s23] =	ssyncadd.s32 $0xFFFFFFFF  }
0xa5: {  	s26 =	simm.s32 $execute0_lowered;
	[smem:$0x3FD2] =	sst s25  }
0xa6: {  	s4 =	sshll.u32 s26, $0x1;
	_ =	strace $0x80000055;
	[dreg:$0x1] =	wrdreg $0xFFFFFFFF  }
0xa7: {  	s28 =	simm.s32 $_size_execute0_lowered;
	s2 =	sadd.s32 s2, s4;
	[dreg:$0x0] =	wrdreg $0x0  }
0xa8: {  	s4 =	sshll.u32 s28, $0x1;
	[dreg:$0x2] =	wrdreg s2  }
0xa9: {  	[dreg:$0x3] =	wrdreg s4  }
0xaa: {  	[dreg:$0x4] =	wrdreg $0xC0  }
0xab: {  	_ =	task [dreg:s6], $0x5FFFF  }
0xac: {  	[dreg:$0x1] =	wrdreg $0xFFFFFFFF  }
0xad: {  	[dreg:$0x0] =	wrdreg $0x60  }
0xae: {  	[dreg:$0x2] =	wrdreg s24  }
0xaf: {  	[dreg:$0x3] =	wrdreg $0x14C800  }
0xb0: {  	[dreg:$0x4] =	wrdreg $0x9  }
0xb1: {  	_ =	task.clear_ibuf [dreg:s6], $0x5FFFF;
	_ =	strace $0x90000055  }
0xb2: {  	s29 =	simm.s32 $0x9;
	_ =	strace $0x80000057  }
0xb3: {  	_ =	swait.ge [sflag:s29], $0x1  }
0xb4: {  	[sflag:s29] =	ssyncadd.s32 $0xFFFFFFFF  }
0xb5: {  	_ =	strace $0x90000057  }
0xb6: {  	_ =	sfence  }
0xb7: {  	s30 =	sld [smem:$0x0];
	_ =	sdelay $0x2  }
0xb8: {  	s31 =	sshll.u32 s1, $0xD;
	s1 =	sshrl.u32 s1, $0x2  }
0xb9: {  	s3 =	sand.u32 $0x4000, s31;
	s1 =	sadd.s32 s1, s30  }
0xba: {  	s0 =	sor.u32 s3, s0;
	s1 =	sshll.u32 s1, $0x11  }
0xbb: {  	s0 =	sor.u32 s1, s0  }
0xbc: {  	s0 =	sadd.s32 $0x8F2B, s0  }
0xbd: {  	[sflag:s0] =	ssyncadd.remote.s32 $0x1  }
0xbe: {  	_ =	sfence.sel $0xFFFF  }
0xbf: {  	[dreg:$0x0] =	wrdreg $0xFFFFFFFF;
	(pc) =	sbr.abs _section_cstart, $3  }
0xc0: {  	[dreg:$0x1] =	wrdreg $0xFFFFFFFF  }
0xc1: {  	_ =	task.clear_ibuf [dreg:s6], $0x2FFFF;
	_ =	strace $0x9FFFFFFF  }
0xc2: {  	(tm) =	ssettm $0x7FFFFFFF  }
0xc3: {  	_ =	shalt  }
tec
execute0_lowered:
.L_overlay_start_1:
0x0: {  	(tag) =	ssettag $0x1  }
0x1: {  	s0 =	srdreg.scid;
	s5 =	rddreg [dreg:$0x0]  }
0x2: {  	s2 =	rddreg [dreg:$0x1];
	s3 =	simm.s32 $0x0;
	s13 =	simm.s32 $0x1  }
0x3: {  	s14 =	simm.s32 $0x0;
	s4 =	sand.u32 $0x1, s0;
	s0 =	stileid.u32  }
0x4: {  	[smem:$0x7FF] =	sst s3;
	s1 =	sshll.u32 s4, $0x4;
	s8 =	smul.u32 $0x2710, s0  }
0x5: {  	s9 =	smul.u32 $0x27100, s4;
	s4 =	ssub.s32 $0x2, s4;
	s1 =	sor.u32 s0, s1  }
0x6: {  	s31 =	sshll.u32 s0, $0x6;
	s11 =	sshrl.u32 s4, $0x1;
	s6 =	smul.u32 $0x2710, s1  }
0x7: {  	s7 =	smul.u32 $0x280, s1;
	s1 =	rddreg [dreg:$0x2];
	_ =	strace $0x80000056  }
0x8: {  	s30 =	sshrl.u32 s8, $0x3;
	s9 =	sadd.s32 s8, s9;
	s11 =	ssub.s32 s4, s11  }
0x9: {  	s12 =	sadd.s32 s8, s2;
	s9 =	sshrl.u32 s9, $0x3;
	s10 =	sadd.s32 s6, s5  }
0xa: {  	s29 =	sadd.s32 s7, s5;
	s7 =	sadd.s32 s30, s5;
	s9 =	sadd.s32 s9, s5  }
0xb: {  	s5 =	sor.u32 $0x1C02, s31;
	s4 =	sadd.s32 $0x5D600, s7;
	s6 =	sadd.s32 $0x58600, s29  }
0xc: {  	s7 =	sadd.s32 $0x5400, s10;
	s8 =	sadd.s32 $0x62600, s9;
	s9 =	smax.u32 s11, $0x1  }
0xd: {  	s10 =	sshrl.u32 s12, $0x3;
	s11 =	simm.s32 $0x2;
	s12 =	simm.s32 $0x7D  }
.LBB2_1:
0xe: {  	[spmem:s10], [sflag:s5] =	dma.local [hbm:s4], $0x4E2  }
0xf: {  	_ =	swait.ge [sflag:s11], $0x4E2  }
0x10: {  	[sflag:s11] =	ssyncset.done $0x0  }
0x11: {  	[sflag:s11] =	ssyncadd.s32 $0xFFFFFB1E  }
0x12: {  	[tilespmem:s3], [sflag:$0x2] =	stream.linear.gather [hbm4b:s6+s3], $0x1400, $0x38;
	[tilespmem:$0x17390] =	vst v63  }
0x13: {  	_ =	swait.ge [sflag:s11], $0x1400  }
0x14: {  	[sflag:s11] =	ssyncset.done $0x0  }
0x15: {  	s15 =	simm.s32 $0x1400;
	[sflag:s11] =	ssyncadd.s32 $0xFFFFEC00  }
0x16: {  	[tilespmem:s15], [sflag:$0x2] =	stream.linear.gather [hbm4b:s7+s3], $0x13880, $0x38;
	[tilespmem:$0x17390] =	vst v63  }
0x17: {  	_ =	swait.ge [sflag:s11], $0x13880  }
0x18: {  	[sflag:s11] =	ssyncset.done $0x0  }
0x19: {  	[sflag:s11] =	ssyncadd.s32 $0xFFFEC780  }
0x1a: {  	s16 =	simm.s32 $0x0;
	[bflag:$0x0] =	sbarrier.arrive $0xFFFF  }
.LBB2_2:
0x1b: {  	p0 =	sne.s32 s16, $0x4E00  }
.Ltmp0:
0x1c: {  	_ = 	snop;
	(pc) =	sbr.rel @p0 .LBB2_2-.Ltmp0, $4  }
0x1d: {  	_ = 	snop  }
0x1e: {  	s17 =	sshra.s32 s16, $0x2  }
0x1f: {  	[spmem:s2] =	stream.indirect.scatter.add.f32 [tilespmem:s15], [sflag:$0x1], $0x10, s17, s12, $0xb8;
	[tilespmem:$0x17390] =	vst v63  }
0x20: {  	s16 =	sadd.s32 $0x200, s16;
	s15 =	sadd.s32 $0x7D0, s15  }
0x21: {  	_ =	swait.ge [sflag:s13], $0x7D0  }
0x22: {  	s15 =	simm.s32 $0x27;
	[sflag:s13] =	ssyncset.done $0x0  }
.LBB2_4:
0x23: {  	p0 =	sne.s32 s15, $0x1;
	s15 =	sadd.s32 $0xFFFFFFFF, s15;
	[sflag:s13] =	ssyncadd.s32 $0xFFFFF830  }
.Ltmp1:
0x24: {  	(pc) =	sbr.rel @p0 .LBB2_4-.Ltmp1, $3  }
0x25: {  	_ =	sdelay $0x1  }
0x26: {  	_ =	swait.ge [sflag:s13], $0x7D0  }
0x27: {  	[sflag:s13] =	ssyncset.done $0x0  }
0x28: {  	s14 =	sadd.s32 $0x1, s14  }
0x29: {  	[sflag:s13] =	ssyncadd.s32 $0xFFFFF830;
	p0 =	sne.s32 s14, s9  }
.Ltmp2:
0x2a: {  	[bflag:$0x0] =	sbarrier.arrive $0xFFFF;
	(pc) =	sbr.rel @p0 .LBB2_1-.Ltmp2, $4  }
0x2b: {  	[hbm:s8], [sflag:s5] =	dma.local [spmem:s10], $0x4E2  }
0x2c: {  	_ =	swait.ge [sflag:s11], $0x4E2  }
0x2d: {  	[sflag:s11] =	ssyncset.done $0x0  }
0x2e: {  	[sflag:s11] =	ssyncadd.s32 $0xFFFFFB1E  }
0x2f: {  	_ =	sfence.sel $0x180000  }
0x30: {  	[bflag:$0x0] =	sbarrier.arrive $0xFFFF  }
0x31: {  	p0 =	sne.s32 s0, $0x0;
	_ =	strace $0x90000056  }
0x32: {  	s0 =	sadd.s32 @!p0 $0x100000, s1;
	[bflag:$0x2] =	sbarrier.arrive $0xFFFF  }
0x33: {  	[sflag:s0] =	ssyncadd.tile.s32 @!p0 $0x1;
	_ =	shalt  }
.Lfunc_end2:
_tile_overlayer_lowered:
.L_overlay_start_2:
0x34: {  	(tag) =	ssettag $0x2  }
0x35: {  	s0 =	rddreg [dreg:$0x0];
	s2 =	stileid.u32  }
0x36: {  	s1 =	rddreg [dreg:$0x1];
	p0 =	sne.s32 s2, $0x0  }
0x37: {  	s3 =	rddreg [dreg:$0x2];
	[bflag:$0x3] =	sbarrier.arrive $0xFFFF;
	s2 =	simm.s32 @!p0 $0x1C02  }
0x38: {  	[timem:s3], [sflag:s2] =	dma.local @!p0 [hbm:s0], s1  }
0x39: {  	s0 =	simm.s32 @!p0 $0x2  }
0x3a: {  	_ =	swait.ge @!p0 [sflag:s0], s1  }
0x3b: {  	s1 =	ssub.s32 @!p0 $0x0, s1;
	[sflag:s0] =	ssyncset.done @!p0 $0x0  }
0x3c: {  	[sflag:s0] =	ssyncadd.s32 @!p0 s1  }
0x3d: {  	[bflag:$0x3] =	sbarrier.arrive $0xFFFF  }
0x3e: {  	_ =	shalt  }

</sc_bundles>
